<compile_context>
chip_gen: v7x
topology: tpu7x:2x2x1
jax: 0.10.2.dev20260603
libtpu: 0.0.44.dev20260713+nightly
codegen_flags: <defaults>
</compile_context>

<pallas_src>
import functools

import jax
import jax.numpy as jnp
from jax import lax
from jax.experimental import pallas as pl
from jax.experimental.pallas import tpu as pltpu
from jax.experimental.pallas import tpu_sc as plsc

_N_FIELDS = 26
_VOCAB = 100000
_EMB = 32
_BATCH = 16384
_NUM = 13
_OUT_D = _N_FIELDS * _EMB + _NUM
_SLOTS = 53

_NC = 2
_NS = 16
_NW = _NC * _NS

_ROWS = _BATCH * _N_FIELDS
_B_PER_W = _BATCH // _NW
_ROWS_PER_W = _B_PER_W * _N_FIELDS
_SUB = 128
_NSUB_W = _ROWS_PER_W // _SUB
_B_CHUNK = 64
_CHUNK = _B_CHUNK * _N_FIELDS
_NSUB = _CHUNK // _SUB
_NCHUNK = _B_PER_W // _B_CHUNK

_VCHUNK = 8704
_NVCHUNK = -(-_VOCAB // _VCHUNK)


def _transpose_body(t_ref, o_ref):
    x = t_ref[0]
    eye = jax.lax.broadcasted_iota(jnp.int32, (_EMB, _EMB), 0) == (
        jax.lax.broadcasted_iota(jnp.int32, (_EMB, _EMB), 1)
    )
    z = jax.lax.dot_general(
        x,
        eye.astype(jnp.float32),
        (((0,), (0,)), ((), ())),
        preferred_element_type=jnp.float32,
    )
    z5 = z.reshape(_VCHUNK // 32, 4, 8, _EMB)
    o_ref[0] = jnp.concatenate([z5[:, s] for s in range(4)], axis=2)


def _tc_transpose(tables_t):
    return pl.pallas_call(
        _transpose_body,
        grid=(_N_FIELDS, _NVCHUNK),
        in_specs=[
            pl.BlockSpec((1, _EMB, _VCHUNK), lambda f, j: (f, 0, j)),
        ],
        out_specs=pl.BlockSpec(
            (1, _VCHUNK // 32, 8, 128), lambda f, j: (f, j, 0, 0)
        ),
        out_shape=jax.ShapeDtypeStruct(
            (_N_FIELDS, _VOCAB // 32, 8, 128), jnp.float32
        ),
        compiler_params=pltpu.CompilerParams(
            dimension_semantics=("parallel", "arbitrary")
        ),
    )(tables_t)


_cache = {}


def _build_kernel():
    if "k" in _cache:
        return _cache["k"]
    mesh = plsc.VectorSubcoreMesh(core_axis_name="c", subcore_axis_name="s")

    @functools.partial(
        pl.kernel,
        mesh=mesh,
        out_type=jax.ShapeDtypeStruct((_BATCH, _SLOTS * 16), jnp.float32),
        compiler_params=pltpu.CompilerParams(
            use_tc_tiling_on_sc=False, needs_layout_passes=False
        ),
        scratch_types=[
            pltpu.VMEM((_NSUB_W, _SUB), jnp.int32),
            pltpu.VMEM((_CHUNK, _EMB), jnp.float32),
            pltpu.VMEM((_B_CHUNK, _SLOTS * 16), jnp.float32),
            pltpu.VMEM((_B_PER_W, 16), jnp.float32),
            pltpu.VMEM((_B_PER_W,), jnp.float32),
            pltpu.SemaphoreType.DMA,
            pltpu.SemaphoreType.DMA,
        ],
    )
    def _k(idx_hbm, table_hbm, num_hbm, scale_hbm, out_hbm,
           idx_v, ebuf, cb, num_v, scale_v, sem, wsem):
        wid = lax.axis_index("s") * _NC + lax.axis_index("c")
        b0w = wid * _B_PER_W

        pltpu.sync_copy(idx_hbm.at[pl.ds(wid * _NSUB_W, _NSUB_W)], idx_v)
        pltpu.sync_copy(num_hbm.at[pl.ds(b0w, _B_PER_W)], num_v)
        pltpu.sync_copy(scale_hbm.at[pl.ds(b0w, _B_PER_W)], scale_v)

        def chunk_body(ci, carry):
            copies = []
            for j in range(_NSUB):
                copies.append(
                    pltpu.async_copy(
                        table_hbm.at[idx_v.at[ci * _NSUB + j]],
                        ebuf.at[pl.ds(j * _SUB, _SUB)],
                        sem,
                    )
                )
            for c in copies:
                c.wait()

            def row_body(k, c2):
                s = plsc.load_gather(
                    scale_v, [jnp.full((16,), ci * _B_CHUNK + k, jnp.int32)]
                )
                r0 = k * _N_FIELDS
                for f in range(_N_FIELDS):
                    cb[k, pl.ds(32 * f, 16)] = ebuf[r0 + f, pl.ds(0, 16)] * s
                    cb[k, pl.ds(32 * f + 16, 16)] = (
                        ebuf[r0 + f, pl.ds(16, 16)] * s
                    )
                cb[k, pl.ds(16 * (_SLOTS - 1), 16)] = num_v[
                    ci * _B_CHUNK + k, :
                ]
                return c2

            lax.fori_loop(0, _B_CHUNK, row_body, 0)

            wcp = pltpu.async_copy(
                cb, out_hbm.at[pl.ds(b0w + ci * _B_CHUNK, _B_CHUNK)], wsem
            )
            wcp.wait()
            return carry

        lax.fori_loop(0, _NCHUNK, chunk_body, 0)

    _cache["k"] = _k
    return _k


def kernel(numeric_features, categorical_features, mask, tables):
    cat = categorical_features.astype(jnp.int32)
    offs = (jnp.arange(_N_FIELDS, dtype=jnp.int32) * _VOCAB)[None, :]
    g = cat + offs
    g = (g & ~jnp.int32(31)) | ((g & 7) << 2) | ((g >> 3) & 3)
    idx = g.reshape(_ROWS // _SUB, _SUB)
    tables_t = jnp.swapaxes(tables, 1, 2)
    t128 = _tc_transpose(tables_t)
    table2d = t128.reshape(_N_FIELDS * _VOCAB, _EMB)
    num_pad = jnp.pad(numeric_features, ((0, 0), (0, 16 - _NUM)))
    scale = jnp.where(mask, 0.0, 1.0).astype(jnp.float32).reshape(_BATCH)
    padded = _build_kernel()(idx, table2d, num_pad, scale)
    return padded[:, :_OUT_D]

# --- scband reference (transcript-rebuilt; emitter-appended) ---
"""Pipeline reference for scband-base-module-65979287601725 (READ-ONLY COPY).

The authoritative reference and input builder live on the scoring server;
editing this copy changes nothing except your own understanding.
"""

import jax, jax.numpy as jnp
import numpy as np

N_FIELDS = 26
VOCAB = 100000
EMB_DIM = 32
BATCH = 16384
NUM_DIM = 13


def setup_inputs(seed: int = 0) -> dict:
    key = jax.random.key(seed)
    k1, k2, k3 = jax.random.split(key, 3)
    numeric_features = jax.random.normal(k1, (BATCH, NUM_DIM), dtype=jnp.float32)
    categorical_features = jax.random.randint(k2, (BATCH, N_FIELDS), 0, VOCAB, dtype=jnp.int64)
    mask = jnp.zeros((BATCH, 1), dtype=jnp.bool_)
    # Learned embedding tables, one per categorical field, stacked: [n_fields, vocab, emb_dim]
    tables = jax.random.normal(k3, (N_FIELDS, VOCAB, EMB_DIM), dtype=jnp.float32) * 0.01
    return {"numeric_features": numeric_features,
            "categorical_features": categorical_features,
            "mask": mask,
            "tables": tables}


def reference(numeric_features, categorical_features, mask, tables):
    # add_categorical_to_numeric: per-field embedding lookup, masked, concatenated with numerics
    n_fields = tables.shape[0]
    # gather: embs[i] = tables[i][categorical_features[:, i]] -> [n_fields, B, emb_dim]
    field_idx = jnp.arange(n_fields)[:, None]
    embs = tables[field_idx, categorical_features.T]  # [n_fields, B, emb_dim]
    # emb = emb * (~mask).float(), mask expands over emb dims
    m = (~mask).astype(jnp.float32)  # [B, 1]
    embs = embs * m[None, :, :]
    # concat embs + numeric along last dim
    b = numeric_features.shape[0]
    embs_flat = jnp.transpose(embs, (1, 0, 2)).reshape(b, -1)  # [B, n_fields*emb_dim]
    out = jnp.concatenate([embs_flat, numeric_features], axis=-1)
    return out

if __name__ == "__main__":
    import jax
    _d = setup_inputs()
    print(jax.jit(kernel)(*tuple(_d.values())))

</pallas_src>

<mosaic_0001>
#map = affine_map<(d0, d1) -> (0, 0)>
#map1 = affine_map<(d0, d1) -> (0)>
module attributes {stable_mosaic.version = 14 : i64} {
  func.func @_k(%arg0: i32, %arg1: i32, %arg2: memref<3328x128xi32, #tpu.memory_space<hbm>>, %arg3: memref<2600000x32xf32, #tpu.memory_space<hbm>>, %arg4: memref<16384x16xf32, #tpu.memory_space<hbm>>, %arg5: memref<16384xf32, #tpu.memory_space<hbm>>, %arg6: memref<16384x848xf32, #tpu.memory_space<hbm>>, %arg7: memref<104x128xi32, #tpu.memory_space<vmem>>, %arg8: memref<1664x32xf32, #tpu.memory_space<vmem>>, %arg9: memref<64x848xf32, #tpu.memory_space<vmem>>, %arg10: memref<512x16xf32, #tpu.memory_space<vmem>>, %arg11: memref<512xf32, #tpu.memory_space<vmem>>, %arg12: memref<!tpu.dma_semaphore, #tpu.memory_space<semaphore_mem>>, %arg13: memref<!tpu.dma_semaphore, #tpu.memory_space<semaphore_mem>>) attributes {dimension_semantics = [#tpu.dimension_semantics<core_parallel>, #tpu.dimension_semantics<subcore_parallel>], iteration_bounds = array<i64: 2, 16>, scalar_prefetch = 0 : i64, scratch_operands = 7 : i64, tpu.core_type = #tpu.core_type<sc_vector_subcore>, window_params = [{transform_indices = #map}, {transform_indices = #map}, {transform_indices = #map}, {transform_indices = #map1}, {transform_indices = #map}]} {
    %mul3A = arith.constant 2 : i32
    %mul3A_0 = arith.muli %arg1, %mul3A : i32
    %add3A = arith.addi %mul3A_0, %arg0 : i32
    %mul3A_1 = arith.constant 512 : i32
    %mul3A_2 = arith.muli %add3A, %mul3A_1 : i32
    %mul3A_3 = arith.constant 104 : i32
    %mul3A_4 = arith.muli %add3A, %mul3A_3 : i32
    "tpu.region"() ({
      %run_scoped3A = tpu.sem_alloc : memref<!tpu.dma_semaphore, #tpu.memory_space<semaphore_mem>>
      %dma_start3A = arith.constant 0 : i32
      %dma_start3A_10 = tpu.memref_slice %arg2[%mul3A_4, %dma_start3A] : memref<3328x128xi32, #tpu.memory_space<hbm>> -> memref<104x128xi32, #tpu.memory_space<hbm>>
      %dma_start3A_11 = arith.constant 0 : i32
      %dma_start3A_12 = tpu.memref_slice %arg2[%mul3A_4, %dma_start3A_11] : memref<3328x128xi32, #tpu.memory_space<hbm>> -> memref<104x128xi32, #tpu.memory_space<hbm>>
      tpu.enqueue_dma source(%dma_start3A_12 : memref<104x128xi32, #tpu.memory_space<hbm>>) target(%arg7 : memref<104x128xi32, #tpu.memory_space<vmem>>) target_semaphore(%run_scoped3A : memref<!tpu.dma_semaphore, #tpu.memory_space<semaphore_mem>>)
      %dma_wait3A = arith.constant 0 : i32
      %dma_wait3A_13 = tpu.memref_slice %arg2[%mul3A_4, %dma_wait3A] : memref<3328x128xi32, #tpu.memory_space<hbm>> -> memref<104x128xi32, #tpu.memory_space<hbm>>
      %dma_wait3A_14 = arith.constant 0 : i32
      %dma_wait3A_15 = tpu.memref_slice %arg2[%mul3A_4, %dma_wait3A_14] : memref<3328x128xi32, #tpu.memory_space<hbm>> -> memref<104x128xi32, #tpu.memory_space<hbm>>
      tpu.wait_dma2 semaphore(%run_scoped3A : memref<!tpu.dma_semaphore, #tpu.memory_space<semaphore_mem>>) src(%dma_wait3A_15 : memref<104x128xi32, #tpu.memory_space<hbm>>) dst(%arg7 : memref<104x128xi32, #tpu.memory_space<vmem>>)
      tpu.yield
    }) : () -> ()
    "tpu.region"() ({
      %run_scoped3A = tpu.sem_alloc : memref<!tpu.dma_semaphore, #tpu.memory_space<semaphore_mem>>
      %dma_start3A = arith.constant 0 : i32
      %dma_start3A_10 = tpu.memref_slice %arg4[%mul3A_2, %dma_start3A] : memref<16384x16xf32, #tpu.memory_space<hbm>> -> memref<512x16xf32, #tpu.memory_space<hbm>>
      %dma_start3A_11 = arith.constant 0 : i32
      %dma_start3A_12 = tpu.memref_slice %arg4[%mul3A_2, %dma_start3A_11] : memref<16384x16xf32, #tpu.memory_space<hbm>> -> memref<512x16xf32, #tpu.memory_space<hbm>>
      tpu.enqueue_dma source(%dma_start3A_12 : memref<512x16xf32, #tpu.memory_space<hbm>>) target(%arg10 : memref<512x16xf32, #tpu.memory_space<vmem>>) target_semaphore(%run_scoped3A : memref<!tpu.dma_semaphore, #tpu.memory_space<semaphore_mem>>)
      %dma_wait3A = arith.constant 0 : i32
      %dma_wait3A_13 = tpu.memref_slice %arg4[%mul3A_2, %dma_wait3A] : memref<16384x16xf32, #tpu.memory_space<hbm>> -> memref<512x16xf32, #tpu.memory_space<hbm>>
      %dma_wait3A_14 = arith.constant 0 : i32
      %dma_wait3A_15 = tpu.memref_slice %arg4[%mul3A_2, %dma_wait3A_14] : memref<16384x16xf32, #tpu.memory_space<hbm>> -> memref<512x16xf32, #tpu.memory_space<hbm>>
      tpu.wait_dma2 semaphore(%run_scoped3A : memref<!tpu.dma_semaphore, #tpu.memory_space<semaphore_mem>>) src(%dma_wait3A_15 : memref<512x16xf32, #tpu.memory_space<hbm>>) dst(%arg10 : memref<512x16xf32, #tpu.memory_space<vmem>>)
      tpu.yield
    }) : () -> ()
    "tpu.region"() ({
      %run_scoped3A = tpu.sem_alloc : memref<!tpu.dma_semaphore, #tpu.memory_space<semaphore_mem>>
      %dma_start3A = tpu.memref_slice %arg5[%mul3A_2] : memref<16384xf32, #tpu.memory_space<hbm>> -> memref<512xf32, #tpu.memory_space<hbm>>
      %dma_start3A_10 = tpu.memref_slice %arg5[%mul3A_2] : memref<16384xf32, #tpu.memory_space<hbm>> -> memref<512xf32, #tpu.memory_space<hbm>>
      tpu.enqueue_dma source(%dma_start3A_10 : memref<512xf32, #tpu.memory_space<hbm>>) target(%arg11 : memref<512xf32, #tpu.memory_space<vmem>>) target_semaphore(%run_scoped3A : memref<!tpu.dma_semaphore, #tpu.memory_space<semaphore_mem>>)
      %dma_wait3A = tpu.memref_slice %arg5[%mul3A_2] : memref<16384xf32, #tpu.memory_space<hbm>> -> memref<512xf32, #tpu.memory_space<hbm>>
      %dma_wait3A_11 = tpu.memref_slice %arg5[%mul3A_2] : memref<16384xf32, #tpu.memory_space<hbm>> -> memref<512xf32, #tpu.memory_space<hbm>>
      tpu.wait_dma2 semaphore(%run_scoped3A : memref<!tpu.dma_semaphore, #tpu.memory_space<semaphore_mem>>) src(%dma_wait3A_11 : memref<512xf32, #tpu.memory_space<hbm>>) dst(%arg11 : memref<512xf32, #tpu.memory_space<vmem>>)
      tpu.yield
    }) : () -> ()
    %scan3A = arith.constant 0 : i32
    %scan3A_5 = arith.constant 0 : i32
    %scan3A_6 = arith.constant 8 : i32
    %scan3A_7 = arith.addi %scan3A_5, %scan3A_6 : i32
    %scan3A_8 = arith.constant 1 : i32
    scf.for %scan3A_10 = %scan3A_5 to %scan3A_7 step %scan3A_8  : i32 {
      %mul3A_11 = arith.constant 13 : i32
      %mul3A_12 = arith.muli %scan3A_10, %mul3A_11 : i32
      %add3A_13 = arith.constant 0 : i32
      %add3A_14 = arith.addi %mul3A_12, %add3A_13 : i32
      %dma_start3A = arith.constant 0 : i32
      %dma_start3A_15 = arith.constant 0 : i32
      %dma_start3A_16 = tpu.memref_slice %arg8[%dma_start3A, %dma_start3A_15] : memref<1664x32xf32, #tpu.memory_space<vmem>> -> memref<128x32xf32, #tpu.memory_space<vmem>>
      %dma_start3A_17 = arith.constant 0 : i32
      %dma_start3A_18 = tpu.memref_slice %arg7[%add3A_14, %dma_start3A_17] : memref<104x128xi32, #tpu.memory_space<vmem>> -> memref<1x128xi32, #tpu.memory_space<vmem>>
      %dma_start3A_19 = tpu.memref_squeeze %dma_start3A_18 : memref<1x128xi32, #tpu.memory_space<vmem>> -> memref<128xi32, #tpu.memory_space<vmem>>
      %dma_start3A_20 = arith.constant 0 : i32
      %dma_start3A_21 = arith.constant 0 : i32
      %dma_start3A_22 = tpu.memref_slice %arg3[%dma_start3A_20, %dma_start3A_21] : memref<2600000x32xf32, #tpu.memory_space<hbm>> -> memref<2600000x32xf32, #tpu.memory_space<hbm>>
      tpu.enqueue_indirect_dma source(%dma_start3A_22 : memref<2600000x32xf32, #tpu.memory_space<hbm>>) target(%dma_start3A_16 : memref<128x32xf32, #tpu.memory_space<vmem>>) offsets(%dma_start3A_19 : memref<128xi32, #tpu.memory_space<vmem>>) semaphore(%arg12 : memref<!tpu.dma_semaphore, #tpu.memory_space<semaphore_mem>>)
      %mul3A_23 = arith.constant 13 : i32
      %mul3A_24 = arith.muli %scan3A_10, %mul3A_23 : i32
      %add3A_25 = arith.constant 1 : i32
      %add3A_26 = arith.addi %mul3A_24, %add3A_25 : i32
      %dma_start3A_27 = arith.constant 128 : i32
      %dma_start3A_28 = arith.constant 0 : i32
      %dma_start3A_29 = tpu.memref_slice %arg8[%dma_start3A_27, %dma_start3A_28] : memref<1664x32xf32, #tpu.memory_space<vmem>> -> memref<128x32xf32, #tpu.memory_space<vmem>>
      %dma_start3A_30 = arith.constant 0 : i32
      %dma_start3A_31 = tpu.memref_slice %arg7[%add3A_26, %dma_start3A_30] : memref<104x128xi32, #tpu.memory_space<vmem>> -> memref<1x128xi32, #tpu.memory_space<vmem>>
      %dma_start3A_32 = tpu.memref_squeeze %dma_start3A_31 : memref<1x128xi32, #tpu.memory_space<vmem>> -> memref<128xi32, #tpu.memory_space<vmem>>
      %dma_start3A_33 = arith.constant 0 : i32
      %dma_start3A_34 = arith.constant 0 : i32
      %dma_start3A_35 = tpu.memref_slice %arg3[%dma_start3A_33, %dma_start3A_34] : memref<2600000x32xf32, #tpu.memory_space<hbm>> -> memref<2600000x32xf32, #tpu.memory_space<hbm>>
      tpu.enqueue_indirect_dma source(%dma_start3A_35 : memref<2600000x32xf32, #tpu.memory_space<hbm>>) target(%dma_start3A_29 : memref<128x32xf32, #tpu.memory_space<vmem>>) offsets(%dma_start3A_32 : memref<128xi32, #tpu.memory_space<vmem>>) semaphore(%arg12 : memref<!tpu.dma_semaphore, #tpu.memory_space<semaphore_mem>>)
      %mul3A_36 = arith.constant 13 : i32
      %mul3A_37 = arith.muli %scan3A_10, %mul3A_36 : i32
      %add3A_38 = arith.constant 2 : i32
      %add3A_39 = arith.addi %mul3A_37, %add3A_38 : i32
      %dma_start3A_40 = arith.constant 256 : i32
      %dma_start3A_41 = arith.constant 0 : i32
      %dma_start3A_42 = tpu.memref_slice %arg8[%dma_start3A_40, %dma_start3A_41] : memref<1664x32xf32, #tpu.memory_space<vmem>> -> memref<128x32xf32, #tpu.memory_space<vmem>>
      %dma_start3A_43 = arith.constant 0 : i32
      %dma_start3A_44 = tpu.memref_slice %arg7[%add3A_39, %dma_start3A_43] : memref<104x128xi32, #tpu.memory_space<vmem>> -> memref<1x128xi32, #tpu.memory_space<vmem>>
      %dma_start3A_45 = tpu.memref_squeeze %dma_start3A_44 : memref<1x128xi32, #tpu.memory_space<vmem>> -> memref<128xi32, #tpu.memory_space<vmem>>
      %dma_start3A_46 = arith.constant 0 : i32
      %dma_start3A_47 = arith.constant 0 : i32
      %dma_start3A_48 = tpu.memref_slice %arg3[%dma_start3A_46, %dma_start3A_47] : memref<2600000x32xf32, #tpu.memory_space<hbm>> -> memref<2600000x32xf32, #tpu.memory_space<hbm>>
      tpu.enqueue_indirect_dma source(%dma_start3A_48 : memref<2600000x32xf32, #tpu.memory_space<hbm>>) target(%dma_start3A_42 : memref<128x32xf32, #tpu.memory_space<vmem>>) offsets(%dma_start3A_45 : memref<128xi32, #tpu.memory_space<vmem>>) semaphore(%arg12 : memref<!tpu.dma_semaphore, #tpu.memory_space<semaphore_mem>>)
      %mul3A_49 = arith.constant 13 : i32
      %mul3A_50 = arith.muli %scan3A_10, %mul3A_49 : i32
      %add3A_51 = arith.constant 3 : i32
      %add3A_52 = arith.addi %mul3A_50, %add3A_51 : i32
      %dma_start3A_53 = arith.constant 384 : i32
      %dma_start3A_54 = arith.constant 0 : i32
      %dma_start3A_55 = tpu.memref_slice %arg8[%dma_start3A_53, %dma_start3A_54] : memref<1664x32xf32, #tpu.memory_space<vmem>> -> memref<128x32xf32, #tpu.memory_space<vmem>>
      %dma_start3A_56 = arith.constant 0 : i32
      %dma_start3A_57 = tpu.memref_slice %arg7[%add3A_52, %dma_start3A_56] : memref<104x128xi32, #tpu.memory_space<vmem>> -> memref<1x128xi32, #tpu.memory_space<vmem>>
      %dma_start3A_58 = tpu.memref_squeeze %dma_start3A_57 : memref<1x128xi32, #tpu.memory_space<vmem>> -> memref<128xi32, #tpu.memory_space<vmem>>
      %dma_start3A_59 = arith.constant 0 : i32
      %dma_start3A_60 = arith.constant 0 : i32
      %dma_start3A_61 = tpu.memref_slice %arg3[%dma_start3A_59, %dma_start3A_60] : memref<2600000x32xf32, #tpu.memory_space<hbm>> -> memref<2600000x32xf32, #tpu.memory_space<hbm>>
      tpu.enqueue_indirect_dma source(%dma_start3A_61 : memref<2600000x32xf32, #tpu.memory_space<hbm>>) target(%dma_start3A_55 : memref<128x32xf32, #tpu.memory_space<vmem>>) offsets(%dma_start3A_58 : memref<128xi32, #tpu.memory_space<vmem>>) semaphore(%arg12 : memref<!tpu.dma_semaphore, #tpu.memory_space<semaphore_mem>>)
      %mul3A_62 = arith.constant 13 : i32
      %mul3A_63 = arith.muli %scan3A_10, %mul3A_62 : i32
      %add3A_64 = arith.constant 4 : i32
      %add3A_65 = arith.addi %mul3A_63, %add3A_64 : i32
      %dma_start3A_66 = arith.constant 512 : i32
      %dma_start3A_67 = arith.constant 0 : i32
      %dma_start3A_68 = tpu.memref_slice %arg8[%dma_start3A_66, %dma_start3A_67] : memref<1664x32xf32, #tpu.memory_space<vmem>> -> memref<128x32xf32, #tpu.memory_space<vmem>>
      %dma_start3A_69 = arith.constant 0 : i32
      %dma_start3A_70 = tpu.memref_slice %arg7[%add3A_65, %dma_start3A_69] : memref<104x128xi32, #tpu.memory_space<vmem>> -> memref<1x128xi32, #tpu.memory_space<vmem>>
      %dma_start3A_71 = tpu.memref_squeeze %dma_start3A_70 : memref<1x128xi32, #tpu.memory_space<vmem>> -> memref<128xi32, #tpu.memory_space<vmem>>
      %dma_start3A_72 = arith.constant 0 : i32
      %dma_start3A_73 = arith.constant 0 : i32
      %dma_start3A_74 = tpu.memref_slice %arg3[%dma_start3A_72, %dma_start3A_73] : memref<2600000x32xf32, #tpu.memory_space<hbm>> -> memref<2600000x32xf32, #tpu.memory_space<hbm>>
      tpu.enqueue_indirect_dma source(%dma_start3A_74 : memref<2600000x32xf32, #tpu.memory_space<hbm>>) target(%dma_start3A_68 : memref<128x32xf32, #tpu.memory_space<vmem>>) offsets(%dma_start3A_71 : memref<128xi32, #tpu.memory_space<vmem>>) semaphore(%arg12 : memref<!tpu.dma_semaphore, #tpu.memory_space<semaphore_mem>>)
      %mul3A_75 = arith.constant 13 : i32
      %mul3A_76 = arith.muli %scan3A_10, %mul3A_75 : i32
      %add3A_77 = arith.constant 5 : i32
      %add3A_78 = arith.addi %mul3A_76, %add3A_77 : i32
      %dma_start3A_79 = arith.constant 640 : i32
      %dma_start3A_80 = arith.constant 0 : i32
      %dma_start3A_81 = tpu.memref_slice %arg8[%dma_start3A_79, %dma_start3A_80] : memref<1664x32xf32, #tpu.memory_space<vmem>> -> memref<128x32xf32, #tpu.memory_space<vmem>>
      %dma_start3A_82 = arith.constant 0 : i32
      %dma_start3A_83 = tpu.memref_slice %arg7[%add3A_78, %dma_start3A_82] : memref<104x128xi32, #tpu.memory_space<vmem>> -> memref<1x128xi32, #tpu.memory_space<vmem>>
      %dma_start3A_84 = tpu.memref_squeeze %dma_start3A_83 : memref<1x128xi32, #tpu.memory_space<vmem>> -> memref<128xi32, #tpu.memory_space<vmem>>
      %dma_start3A_85 = arith.constant 0 : i32
      %dma_start3A_86 = arith.constant 0 : i32
      %dma_start3A_87 = tpu.memref_slice %arg3[%dma_start3A_85, %dma_start3A_86] : memref<2600000x32xf32, #tpu.memory_space<hbm>> -> memref<2600000x32xf32, #tpu.memory_space<hbm>>
      tpu.enqueue_indirect_dma source(%dma_start3A_87 : memref<2600000x32xf32, #tpu.memory_space<hbm>>) target(%dma_start3A_81 : memref<128x32xf32, #tpu.memory_space<vmem>>) offsets(%dma_start3A_84 : memref<128xi32, #tpu.memory_space<vmem>>) semaphore(%arg12 : memref<!tpu.dma_semaphore, #tpu.memory_space<semaphore_mem>>)
      %mul3A_88 = arith.constant 13 : i32
      %mul3A_89 = arith.muli %scan3A_10, %mul3A_88 : i32
      %add3A_90 = arith.constant 6 : i32
      %add3A_91 = arith.addi %mul3A_89, %add3A_90 : i32
      %dma_start3A_92 = arith.constant 768 : i32
      %dma_start3A_93 = arith.constant 0 : i32
      %dma_start3A_94 = tpu.memref_slice %arg8[%dma_start3A_92, %dma_start3A_93] : memref<1664x32xf32, #tpu.memory_space<vmem>> -> memref<128x32xf32, #tpu.memory_space<vmem>>
      %dma_start3A_95 = arith.constant 0 : i32
      %dma_start3A_96 = tpu.memref_slice %arg7[%add3A_91, %dma_start3A_95] : memref<104x128xi32, #tpu.memory_space<vmem>> -> memref<1x128xi32, #tpu.memory_space<vmem>>
      %dma_start3A_97 = tpu.memref_squeeze %dma_start3A_96 : memref<1x128xi32, #tpu.memory_space<vmem>> -> memref<128xi32, #tpu.memory_space<vmem>>
      %dma_start3A_98 = arith.constant 0 : i32
      %dma_start3A_99 = arith.constant 0 : i32
      %dma_start3A_100 = tpu.memref_slice %arg3[%dma_start3A_98, %dma_start3A_99] : memref<2600000x32xf32, #tpu.memory_space<hbm>> -> memref<2600000x32xf32, #tpu.memory_space<hbm>>
      tpu.enqueue_indirect_dma source(%dma_start3A_100 : memref<2600000x32xf32, #tpu.memory_space<hbm>>) target(%dma_start3A_94 : memref<128x32xf32, #tpu.memory_space<vmem>>) offsets(%dma_start3A_97 : memref<128xi32, #tpu.memory_space<vmem>>) semaphore(%arg12 : memref<!tpu.dma_semaphore, #tpu.memory_space<semaphore_mem>>)
      %mul3A_101 = arith.constant 13 : i32
      %mul3A_102 = arith.muli %scan3A_10, %mul3A_101 : i32
      %add3A_103 = arith.constant 7 : i32
      %add3A_104 = arith.addi %mul3A_102, %add3A_103 : i32
      %dma_start3A_105 = arith.constant 896 : i32
      %dma_start3A_106 = arith.constant 0 : i32
      %dma_start3A_107 = tpu.memref_slice %arg8[%dma_start3A_105, %dma_start3A_106] : memref<1664x32xf32, #tpu.memory_space<vmem>> -> memref<128x32xf32, #tpu.memory_space<vmem>>
      %dma_start3A_108 = arith.constant 0 : i32
      %dma_start3A_109 = tpu.memref_slice %arg7[%add3A_104, %dma_start3A_108] : memref<104x128xi32, #tpu.memory_space<vmem>> -> memref<1x128xi32, #tpu.memory_space<vmem>>
      %dma_start3A_110 = tpu.memref_squeeze %dma_start3A_109 : memref<1x128xi32, #tpu.memory_space<vmem>> -> memref<128xi32, #tpu.memory_space<vmem>>
      %dma_start3A_111 = arith.constant 0 : i32
      %dma_start3A_112 = arith.constant 0 : i32
      %dma_start3A_113 = tpu.memref_slice %arg3[%dma_start3A_111, %dma_start3A_112] : memref<2600000x32xf32, #tpu.memory_space<hbm>> -> memref<2600000x32xf32, #tpu.memory_space<hbm>>
      tpu.enqueue_indirect_dma source(%dma_start3A_113 : memref<2600000x32xf32, #tpu.memory_space<hbm>>) target(%dma_start3A_107 : memref<128x32xf32, #tpu.memory_space<vmem>>) offsets(%dma_start3A_110 : memref<128xi32, #tpu.memory_space<vmem>>) semaphore(%arg12 : memref<!tpu.dma_semaphore, #tpu.memory_space<semaphore_mem>>)
      %mul3A_114 = arith.constant 13 : i32
      %mul3A_115 = arith.muli %scan3A_10, %mul3A_114 : i32
      %add3A_116 = arith.constant 8 : i32
      %add3A_117 = arith.addi %mul3A_115, %add3A_116 : i32
      %dma_start3A_118 = arith.constant 1024 : i32
      %dma_start3A_119 = arith.constant 0 : i32
      %dma_start3A_120 = tpu.memref_slice %arg8[%dma_start3A_118, %dma_start3A_119] : memref<1664x32xf32, #tpu.memory_space<vmem>> -> memref<128x32xf32, #tpu.memory_space<vmem>>
      %dma_start3A_121 = arith.constant 0 : i32
      %dma_start3A_122 = tpu.memref_slice %arg7[%add3A_117, %dma_start3A_121] : memref<104x128xi32, #tpu.memory_space<vmem>> -> memref<1x128xi32, #tpu.memory_space<vmem>>
      %dma_start3A_123 = tpu.memref_squeeze %dma_start3A_122 : memref<1x128xi32, #tpu.memory_space<vmem>> -> memref<128xi32, #tpu.memory_space<vmem>>
      %dma_start3A_124 = arith.constant 0 : i32
      %dma_start3A_125 = arith.constant 0 : i32
      %dma_start3A_126 = tpu.memref_slice %arg3[%dma_start3A_124, %dma_start3A_125] : memref<2600000x32xf32, #tpu.memory_space<hbm>> -> memref<2600000x32xf32, #tpu.memory_space<hbm>>
      tpu.enqueue_indirect_dma source(%dma_start3A_126 : memref<2600000x32xf32, #tpu.memory_space<hbm>>) target(%dma_start3A_120 : memref<128x32xf32, #tpu.memory_space<vmem>>) offsets(%dma_start3A_123 : memref<128xi32, #tpu.memory_space<vmem>>) semaphore(%arg12 : memref<!tpu.dma_semaphore, #tpu.memory_space<semaphore_mem>>)
      %mul3A_127 = arith.constant 13 : i32
      %mul3A_128 = arith.muli %scan3A_10, %mul3A_127 : i32
      %add3A_129 = arith.constant 9 : i32
      %add3A_130 = arith.addi %mul3A_128, %add3A_129 : i32
      %dma_start3A_131 = arith.constant 1152 : i32
      %dma_start3A_132 = arith.constant 0 : i32
      %dma_start3A_133 = tpu.memref_slice %arg8[%dma_start3A_131, %dma_start3A_132] : memref<1664x32xf32, #tpu.memory_space<vmem>> -> memref<128x32xf32, #tpu.memory_space<vmem>>
      %dma_start3A_134 = arith.constant 0 : i32
      %dma_start3A_135 = tpu.memref_slice %arg7[%add3A_130, %dma_start3A_134] : memref<104x128xi32, #tpu.memory_space<vmem>> -> memref<1x128xi32, #tpu.memory_space<vmem>>
      %dma_start3A_136 = tpu.memref_squeeze %dma_start3A_135 : memref<1x128xi32, #tpu.memory_space<vmem>> -> memref<128xi32, #tpu.memory_space<vmem>>
      %dma_start3A_137 = arith.constant 0 : i32
      %dma_start3A_138 = arith.constant 0 : i32
      %dma_start3A_139 = tpu.memref_slice %arg3[%dma_start3A_137, %dma_start3A_138] : memref<2600000x32xf32, #tpu.memory_space<hbm>> -> memref<2600000x32xf32, #tpu.memory_space<hbm>>
      tpu.enqueue_indirect_dma source(%dma_start3A_139 : memref<2600000x32xf32, #tpu.memory_space<hbm>>) target(%dma_start3A_133 : memref<128x32xf32, #tpu.memory_space<vmem>>) offsets(%dma_start3A_136 : memref<128xi32, #tpu.memory_space<vmem>>) semaphore(%arg12 : memref<!tpu.dma_semaphore, #tpu.memory_space<semaphore_mem>>)
      %mul3A_140 = arith.constant 13 : i32
      %mul3A_141 = arith.muli %scan3A_10, %mul3A_140 : i32
      %add3A_142 = arith.constant 10 : i32
      %add3A_143 = arith.addi %mul3A_141, %add3A_142 : i32
      %dma_start3A_144 = arith.constant 1280 : i32
      %dma_start3A_145 = arith.constant 0 : i32
      %dma_start3A_146 = tpu.memref_slice %arg8[%dma_start3A_144, %dma_start3A_145] : memref<1664x32xf32, #tpu.memory_space<vmem>> -> memref<128x32xf32, #tpu.memory_space<vmem>>
      %dma_start3A_147 = arith.constant 0 : i32
      %dma_start3A_148 = tpu.memref_slice %arg7[%add3A_143, %dma_start3A_147] : memref<104x128xi32, #tpu.memory_space<vmem>> -> memref<1x128xi32, #tpu.memory_space<vmem>>
      %dma_start3A_149 = tpu.memref_squeeze %dma_start3A_148 : memref<1x128xi32, #tpu.memory_space<vmem>> -> memref<128xi32, #tpu.memory_space<vmem>>
      %dma_start3A_150 = arith.constant 0 : i32
      %dma_start3A_151 = arith.constant 0 : i32
      %dma_start3A_152 = tpu.memref_slice %arg3[%dma_start3A_150, %dma_start3A_151] : memref<2600000x32xf32, #tpu.memory_space<hbm>> -> memref<2600000x32xf32, #tpu.memory_space<hbm>>
      tpu.enqueue_indirect_dma source(%dma_start3A_152 : memref<2600000x32xf32, #tpu.memory_space<hbm>>) target(%dma_start3A_146 : memref<128x32xf32, #tpu.memory_space<vmem>>) offsets(%dma_start3A_149 : memref<128xi32, #tpu.memory_space<vmem>>) semaphore(%arg12 : memref<!tpu.dma_semaphore, #tpu.memory_space<semaphore_mem>>)
      %mul3A_153 = arith.constant 13 : i32
      %mul3A_154 = arith.muli %scan3A_10, %mul3A_153 : i32
      %add3A_155 = arith.constant 11 : i32
      %add3A_156 = arith.addi %mul3A_154, %add3A_155 : i32
      %dma_start3A_157 = arith.constant 1408 : i32
      %dma_start3A_158 = arith.constant 0 : i32
      %dma_start3A_159 = tpu.memref_slice %arg8[%dma_start3A_157, %dma_start3A_158] : memref<1664x32xf32, #tpu.memory_space<vmem>> -> memref<128x32xf32, #tpu.memory_space<vmem>>
      %dma_start3A_160 = arith.constant 0 : i32
      %dma_start3A_161 = tpu.memref_slice %arg7[%add3A_156, %dma_start3A_160] : memref<104x128xi32, #tpu.memory_space<vmem>> -> memref<1x128xi32, #tpu.memory_space<vmem>>
      %dma_start3A_162 = tpu.memref_squeeze %dma_start3A_161 : memref<1x128xi32, #tpu.memory_space<vmem>> -> memref<128xi32, #tpu.memory_space<vmem>>
      %dma_start3A_163 = arith.constant 0 : i32
      %dma_start3A_164 = arith.constant 0 : i32
      %dma_start3A_165 = tpu.memref_slice %arg3[%dma_start3A_163, %dma_start3A_164] : memref<2600000x32xf32, #tpu.memory_space<hbm>> -> memref<2600000x32xf32, #tpu.memory_space<hbm>>
      tpu.enqueue_indirect_dma source(%dma_start3A_165 : memref<2600000x32xf32, #tpu.memory_space<hbm>>) target(%dma_start3A_159 : memref<128x32xf32, #tpu.memory_space<vmem>>) offsets(%dma_start3A_162 : memref<128xi32, #tpu.memory_space<vmem>>) semaphore(%arg12 : memref<!tpu.dma_semaphore, #tpu.memory_space<semaphore_mem>>)
      %mul3A_166 = arith.constant 13 : i32
      %mul3A_167 = arith.muli %scan3A_10, %mul3A_166 : i32
      %add3A_168 = arith.constant 12 : i32
      %add3A_169 = arith.addi %mul3A_167, %add3A_168 : i32
      %dma_start3A_170 = arith.constant 1536 : i32
      %dma_start3A_171 = arith.constant 0 : i32
      %dma_start3A_172 = tpu.memref_slice %arg8[%dma_start3A_170, %dma_start3A_171] : memref<1664x32xf32, #tpu.memory_space<vmem>> -> memref<128x32xf32, #tpu.memory_space<vmem>>
      %dma_start3A_173 = arith.constant 0 : i32
      %dma_start3A_174 = tpu.memref_slice %arg7[%add3A_169, %dma_start3A_173] : memref<104x128xi32, #tpu.memory_space<vmem>> -> memref<1x128xi32, #tpu.memory_space<vmem>>
      %dma_start3A_175 = tpu.memref_squeeze %dma_start3A_174 : memref<1x128xi32, #tpu.memory_space<vmem>> -> memref<128xi32, #tpu.memory_space<vmem>>
      %dma_start3A_176 = arith.constant 0 : i32
      %dma_start3A_177 = arith.constant 0 : i32
      %dma_start3A_178 = tpu.memref_slice %arg3[%dma_start3A_176, %dma_start3A_177] : memref<2600000x32xf32, #tpu.memory_space<hbm>> -> memref<2600000x32xf32, #tpu.memory_space<hbm>>
      tpu.enqueue_indirect_dma source(%dma_start3A_178 : memref<2600000x32xf32, #tpu.memory_space<hbm>>) target(%dma_start3A_172 : memref<128x32xf32, #tpu.memory_space<vmem>>) offsets(%dma_start3A_175 : memref<128xi32, #tpu.memory_space<vmem>>) semaphore(%arg12 : memref<!tpu.dma_semaphore, #tpu.memory_space<semaphore_mem>>)
      %dma_wait3A = arith.constant 0 : i32
      %dma_wait3A_179 = arith.constant 0 : i32
      %dma_wait3A_180 = tpu.memref_slice %arg8[%dma_wait3A, %dma_wait3A_179] : memref<1664x32xf32, #tpu.memory_space<vmem>> -> memref<128x32xf32, #tpu.memory_space<vmem>>
      %dma_wait3A_181 = arith.constant 0 : i32
      %dma_wait3A_182 = tpu.memref_slice %arg7[%add3A_14, %dma_wait3A_181] : memref<104x128xi32, #tpu.memory_space<vmem>> -> memref<1x128xi32, #tpu.memory_space<vmem>>
      %dma_wait3A_183 = tpu.memref_squeeze %dma_wait3A_182 : memref<1x128xi32, #tpu.memory_space<vmem>> -> memref<128xi32, #tpu.memory_space<vmem>>
      %dma_wait3A_184 = arith.constant 0 : i32
      %dma_wait3A_185 = arith.constant 0 : i32
      %dma_wait3A_186 = tpu.memref_slice %arg3[%dma_wait3A_184, %dma_wait3A_185] : memref<2600000x32xf32, #tpu.memory_space<hbm>> -> memref<2600000x32xf32, #tpu.memory_space<hbm>>
      tpu.wait_indirect_dma semaphore(%arg12 : memref<!tpu.dma_semaphore, #tpu.memory_space<semaphore_mem>>) src(%dma_wait3A_186 : memref<2600000x32xf32, #tpu.memory_space<hbm>>) dst(%dma_wait3A_180 : memref<128x32xf32, #tpu.memory_space<vmem>>)
      %dma_wait3A_187 = arith.constant 128 : i32
      %dma_wait3A_188 = arith.constant 0 : i32
      %dma_wait3A_189 = tpu.memref_slice %arg8[%dma_wait3A_187, %dma_wait3A_188] : memref<1664x32xf32, #tpu.memory_space<vmem>> -> memref<128x32xf32, #tpu.memory_space<vmem>>
      %dma_wait3A_190 = arith.constant 0 : i32
      %dma_wait3A_191 = tpu.memref_slice %arg7[%add3A_26, %dma_wait3A_190] : memref<104x128xi32, #tpu.memory_space<vmem>> -> memref<1x128xi32, #tpu.memory_space<vmem>>
      %dma_wait3A_192 = tpu.memref_squeeze %dma_wait3A_191 : memref<1x128xi32, #tpu.memory_space<vmem>> -> memref<128xi32, #tpu.memory_space<vmem>>
      %dma_wait3A_193 = arith.constant 0 : i32
      %dma_wait3A_194 = arith.constant 0 : i32
      %dma_wait3A_195 = tpu.memref_slice %arg3[%dma_wait3A_193, %dma_wait3A_194] : memref<2600000x32xf32, #tpu.memory_space<hbm>> -> memref<2600000x32xf32, #tpu.memory_space<hbm>>
      tpu.wait_indirect_dma semaphore(%arg12 : memref<!tpu.dma_semaphore, #tpu.memory_space<semaphore_mem>>) src(%dma_wait3A_195 : memref<2600000x32xf32, #tpu.memory_space<hbm>>) dst(%dma_wait3A_189 : memref<128x32xf32, #tpu.memory_space<vmem>>)
      %dma_wait3A_196 = arith.constant 256 : i32
      %dma_wait3A_197 = arith.constant 0 : i32
      %dma_wait3A_198 = tpu.memref_slice %arg8[%dma_wait3A_196, %dma_wait3A_197] : memref<1664x32xf32, #tpu.memory_space<vmem>> -> memref<128x32xf32, #tpu.memory_space<vmem>>
      %dma_wait3A_199 = arith.constant 0 : i32
      %dma_wait3A_200 = tpu.memref_slice %arg7[%add3A_39, %dma_wait3A_199] : memref<104x128xi32, #tpu.memory_space<vmem>> -> memref<1x128xi32, #tpu.memory_space<vmem>>
      %dma_wait3A_201 = tpu.memref_squeeze %dma_wait3A_200 : memref<1x128xi32, #tpu.memory_space<vmem>> -> memref<128xi32, #tpu.memory_space<vmem>>
      %dma_wait3A_202 = arith.constant 0 : i32
      %dma_wait3A_203 = arith.constant 0 : i32
      %dma_wait3A_204 = tpu.memref_slice %arg3[%dma_wait3A_202, %dma_wait3A_203] : memref<2600000x32xf32, #tpu.memory_space<hbm>> -> memref<2600000x32xf32, #tpu.memory_space<hbm>>
      tpu.wait_indirect_dma semaphore(%arg12 : memref<!tpu.dma_semaphore, #tpu.memory_space<semaphore_mem>>) src(%dma_wait3A_204 : memref<2600000x32xf32, #tpu.memory_space<hbm>>) dst(%dma_wait3A_198 : memref<128x32xf32, #tpu.memory_space<vmem>>)
      %dma_wait3A_205 = arith.constant 384 : i32
      %dma_wait3A_206 = arith.constant 0 : i32
      %dma_wait3A_207 = tpu.memref_slice %arg8[%dma_wait3A_205, %dma_wait3A_206] : memref<1664x32xf32, #tpu.memory_space<vmem>> -> memref<128x32xf32, #tpu.memory_space<vmem>>
      %dma_wait3A_208 = arith.constant 0 : i32
      %dma_wait3A_209 = tpu.memref_slice %arg7[%add3A_52, %dma_wait3A_208] : memref<104x128xi32, #tpu.memory_space<vmem>> -> memref<1x128xi32, #tpu.memory_space<vmem>>
      %dma_wait3A_210 = tpu.memref_squeeze %dma_wait3A_209 : memref<1x128xi32, #tpu.memory_space<vmem>> -> memref<128xi32, #tpu.memory_space<vmem>>
      %dma_wait3A_211 = arith.constant 0 : i32
      %dma_wait3A_212 = arith.constant 0 : i32
      %dma_wait3A_213 = tpu.memref_slice %arg3[%dma_wait3A_211, %dma_wait3A_212] : memref<2600000x32xf32, #tpu.memory_space<hbm>> -> memref<2600000x32xf32, #tpu.memory_space<hbm>>
      tpu.wait_indirect_dma semaphore(%arg12 : memref<!tpu.dma_semaphore, #tpu.memory_space<semaphore_mem>>) src(%dma_wait3A_213 : memref<2600000x32xf32, #tpu.memory_space<hbm>>) dst(%dma_wait3A_207 : memref<128x32xf32, #tpu.memory_space<vmem>>)
      %dma_wait3A_214 = arith.constant 512 : i32
      %dma_wait3A_215 = arith.constant 0 : i32
      %dma_wait3A_216 = tpu.memref_slice %arg8[%dma_wait3A_214, %dma_wait3A_215] : memref<1664x32xf32, #tpu.memory_space<vmem>> -> memref<128x32xf32, #tpu.memory_space<vmem>>
      %dma_wait3A_217 = arith.constant 0 : i32
      %dma_wait3A_218 = tpu.memref_slice %arg7[%add3A_65, %dma_wait3A_217] : memref<104x128xi32, #tpu.memory_space<vmem>> -> memref<1x128xi32, #tpu.memory_space<vmem>>
      %dma_wait3A_219 = tpu.memref_squeeze %dma_wait3A_218 : memref<1x128xi32, #tpu.memory_space<vmem>> -> memref<128xi32, #tpu.memory_space<vmem>>
      %dma_wait3A_220 = arith.constant 0 : i32
      %dma_wait3A_221 = arith.constant 0 : i32
      %dma_wait3A_222 = tpu.memref_slice %arg3[%dma_wait3A_220, %dma_wait3A_221] : memref<2600000x32xf32, #tpu.memory_space<hbm>> -> memref<2600000x32xf32, #tpu.memory_space<hbm>>
      tpu.wait_indirect_dma semaphore(%arg12 : memref<!tpu.dma_semaphore, #tpu.memory_space<semaphore_mem>>) src(%dma_wait3A_222 : memref<2600000x32xf32, #tpu.memory_space<hbm>>) dst(%dma_wait3A_216 : memref<128x32xf32, #tpu.memory_space<vmem>>)
      %dma_wait3A_223 = arith.constant 640 : i32
      %dma_wait3A_224 = arith.constant 0 : i32
      %dma_wait3A_225 = tpu.memref_slice %arg8[%dma_wait3A_223, %dma_wait3A_224] : memref<1664x32xf32, #tpu.memory_space<vmem>> -> memref<128x32xf32, #tpu.memory_space<vmem>>
      %dma_wait3A_226 = arith.constant 0 : i32
      %dma_wait3A_227 = tpu.memref_slice %arg7[%add3A_78, %dma_wait3A_226] : memref<104x128xi32, #tpu.memory_space<vmem>> -> memref<1x128xi32, #tpu.memory_space<vmem>>
      %dma_wait3A_228 = tpu.memref_squeeze %dma_wait3A_227 : memref<1x128xi32, #tpu.memory_space<vmem>> -> memref<128xi32, #tpu.memory_space<vmem>>
      %dma_wait3A_229 = arith.constant 0 : i32
      %dma_wait3A_230 = arith.constant 0 : i32
      %dma_wait3A_231 = tpu.memref_slice %arg3[%dma_wait3A_229, %dma_wait3A_230] : memref<2600000x32xf32, #tpu.memory_space<hbm>> -> memref<2600000x32xf32, #tpu.memory_space<hbm>>
      tpu.wait_indirect_dma semaphore(%arg12 : memref<!tpu.dma_semaphore, #tpu.memory_space<semaphore_mem>>) src(%dma_wait3A_231 : memref<2600000x32xf32, #tpu.memory_space<hbm>>) dst(%dma_wait3A_225 : memref<128x32xf32, #tpu.memory_space<vmem>>)
      %dma_wait3A_232 = arith.constant 768 : i32
      %dma_wait3A_233 = arith.constant 0 : i32
      %dma_wait3A_234 = tpu.memref_slice %arg8[%dma_wait3A_232, %dma_wait3A_233] : memref<1664x32xf32, #tpu.memory_space<vmem>> -> memref<128x32xf32, #tpu.memory_space<vmem>>
      %dma_wait3A_235 = arith.constant 0 : i32
      %dma_wait3A_236 = tpu.memref_slice %arg7[%add3A_91, %dma_wait3A_235] : memref<104x128xi32, #tpu.memory_space<vmem>> -> memref<1x128xi32, #tpu.memory_space<vmem>>
      %dma_wait3A_237 = tpu.memref_squeeze %dma_wait3A_236 : memref<1x128xi32, #tpu.memory_space<vmem>> -> memref<128xi32, #tpu.memory_space<vmem>>
      %dma_wait3A_238 = arith.constant 0 : i32
      %dma_wait3A_239 = arith.constant 0 : i32
      %dma_wait3A_240 = tpu.memref_slice %arg3[%dma_wait3A_238, %dma_wait3A_239] : memref<2600000x32xf32, #tpu.memory_space<hbm>> -> memref<2600000x32xf32, #tpu.memory_space<hbm>>
      tpu.wait_indirect_dma semaphore(%arg12 : memref<!tpu.dma_semaphore, #tpu.memory_space<semaphore_mem>>) src(%dma_wait3A_240 : memref<2600000x32xf32, #tpu.memory_space<hbm>>) dst(%dma_wait3A_234 : memref<128x32xf32, #tpu.memory_space<vmem>>)
      %dma_wait3A_241 = arith.constant 896 : i32
      %dma_wait3A_242 = arith.constant 0 : i32
      %dma_wait3A_243 = tpu.memref_slice %arg8[%dma_wait3A_241, %dma_wait3A_242] : memref<1664x32xf32, #tpu.memory_space<vmem>> -> memref<128x32xf32, #tpu.memory_space<vmem>>
      %dma_wait3A_244 = arith.constant 0 : i32
      %dma_wait3A_245 = tpu.memref_slice %arg7[%add3A_104, %dma_wait3A_244] : memref<104x128xi32, #tpu.memory_space<vmem>> -> memref<1x128xi32, #tpu.memory_space<vmem>>
      %dma_wait3A_246 = tpu.memref_squeeze %dma_wait3A_245 : memref<1x128xi32, #tpu.memory_space<vmem>> -> memref<128xi32, #tpu.memory_space<vmem>>
      %dma_wait3A_247 = arith.constant 0 : i32
      %dma_wait3A_248 = arith.constant 0 : i32
      %dma_wait3A_249 = tpu.memref_slice %arg3[%dma_wait3A_247, %dma_wait3A_248] : memref<2600000x32xf32, #tpu.memory_space<hbm>> -> memref<2600000x32xf32, #tpu.memory_space<hbm>>
      tpu.wait_indirect_dma semaphore(%arg12 : memref<!tpu.dma_semaphore, #tpu.memory_space<semaphore_mem>>) src(%dma_wait3A_249 : memref<2600000x32xf32, #tpu.memory_space<hbm>>) dst(%dma_wait3A_243 : memref<128x32xf32, #tpu.memory_space<vmem>>)
      %dma_wait3A_250 = arith.constant 1024 : i32
      %dma_wait3A_251 = arith.constant 0 : i32
      %dma_wait3A_252 = tpu.memref_slice %arg8[%dma_wait3A_250, %dma_wait3A_251] : memref<1664x32xf32, #tpu.memory_space<vmem>> -> memref<128x32xf32, #tpu.memory_space<vmem>>
      %dma_wait3A_253 = arith.constant 0 : i32
      %dma_wait3A_254 = tpu.memref_slice %arg7[%add3A_117, %dma_wait3A_253] : memref<104x128xi32, #tpu.memory_space<vmem>> -> memref<1x128xi32, #tpu.memory_space<vmem>>
      %dma_wait3A_255 = tpu.memref_squeeze %dma_wait3A_254 : memref<1x128xi32, #tpu.memory_space<vmem>> -> memref<128xi32, #tpu.memory_space<vmem>>
      %dma_wait3A_256 = arith.constant 0 : i32
      %dma_wait3A_257 = arith.constant 0 : i32
      %dma_wait3A_258 = tpu.memref_slice %arg3[%dma_wait3A_256, %dma_wait3A_257] : memref<2600000x32xf32, #tpu.memory_space<hbm>> -> memref<2600000x32xf32, #tpu.memory_space<hbm>>
      tpu.wait_indirect_dma semaphore(%arg12 : memref<!tpu.dma_semaphore, #tpu.memory_space<semaphore_mem>>) src(%dma_wait3A_258 : memref<2600000x32xf32, #tpu.memory_space<hbm>>) dst(%dma_wait3A_252 : memref<128x32xf32, #tpu.memory_space<vmem>>)
      %dma_wait3A_259 = arith.constant 1152 : i32
      %dma_wait3A_260 = arith.constant 0 : i32
      %dma_wait3A_261 = tpu.memref_slice %arg8[%dma_wait3A_259, %dma_wait3A_260] : memref<1664x32xf32, #tpu.memory_space<vmem>> -> memref<128x32xf32, #tpu.memory_space<vmem>>
      %dma_wait3A_262 = arith.constant 0 : i32
      %dma_wait3A_263 = tpu.memref_slice %arg7[%add3A_130, %dma_wait3A_262] : memref<104x128xi32, #tpu.memory_space<vmem>> -> memref<1x128xi32, #tpu.memory_space<vmem>>
      %dma_wait3A_264 = tpu.memref_squeeze %dma_wait3A_263 : memref<1x128xi32, #tpu.memory_space<vmem>> -> memref<128xi32, #tpu.memory_space<vmem>>
      %dma_wait3A_265 = arith.constant 0 : i32
      %dma_wait3A_266 = arith.constant 0 : i32
      %dma_wait3A_267 = tpu.memref_slice %arg3[%dma_wait3A_265, %dma_wait3A_266] : memref<2600000x32xf32, #tpu.memory_space<hbm>> -> memref<2600000x32xf32, #tpu.memory_space<hbm>>
      tpu.wait_indirect_dma semaphore(%arg12 : memref<!tpu.dma_semaphore, #tpu.memory_space<semaphore_mem>>) src(%dma_wait3A_267 : memref<2600000x32xf32, #tpu.memory_space<hbm>>) dst(%dma_wait3A_261 : memref<128x32xf32, #tpu.memory_space<vmem>>)
      %dma_wait3A_268 = arith.constant 1280 : i32
      %dma_wait3A_269 = arith.constant 0 : i32
      %dma_wait3A_270 = tpu.memref_slice %arg8[%dma_wait3A_268, %dma_wait3A_269] : memref<1664x32xf32, #tpu.memory_space<vmem>> -> memref<128x32xf32, #tpu.memory_space<vmem>>
      %dma_wait3A_271 = arith.constant 0 : i32
      %dma_wait3A_272 = tpu.memref_slice %arg7[%add3A_143, %dma_wait3A_271] : memref<104x128xi32, #tpu.memory_space<vmem>> -> memref<1x128xi32, #tpu.memory_space<vmem>>
      %dma_wait3A_273 = tpu.memref_squeeze %dma_wait3A_272 : memref<1x128xi32, #tpu.memory_space<vmem>> -> memref<128xi32, #tpu.memory_space<vmem>>
      %dma_wait3A_274 = arith.constant 0 : i32
      %dma_wait3A_275 = arith.constant 0 : i32
      %dma_wait3A_276 = tpu.memref_slice %arg3[%dma_wait3A_274, %dma_wait3A_275] : memref<2600000x32xf32, #tpu.memory_space<hbm>> -> memref<2600000x32xf32, #tpu.memory_space<hbm>>
      tpu.wait_indirect_dma semaphore(%arg12 : memref<!tpu.dma_semaphore, #tpu.memory_space<semaphore_mem>>) src(%dma_wait3A_276 : memref<2600000x32xf32, #tpu.memory_space<hbm>>) dst(%dma_wait3A_270 : memref<128x32xf32, #tpu.memory_space<vmem>>)
      %dma_wait3A_277 = arith.constant 1408 : i32
      %dma_wait3A_278 = arith.constant 0 : i32
      %dma_wait3A_279 = tpu.memref_slice %arg8[%dma_wait3A_277, %dma_wait3A_278] : memref<1664x32xf32, #tpu.memory_space<vmem>> -> memref<128x32xf32, #tpu.memory_space<vmem>>
      %dma_wait3A_280 = arith.constant 0 : i32
      %dma_wait3A_281 = tpu.memref_slice %arg7[%add3A_156, %dma_wait3A_280] : memref<104x128xi32, #tpu.memory_space<vmem>> -> memref<1x128xi32, #tpu.memory_space<vmem>>
      %dma_wait3A_282 = tpu.memref_squeeze %dma_wait3A_281 : memref<1x128xi32, #tpu.memory_space<vmem>> -> memref<128xi32, #tpu.memory_space<vmem>>
      %dma_wait3A_283 = arith.constant 0 : i32
      %dma_wait3A_284 = arith.constant 0 : i32
      %dma_wait3A_285 = tpu.memref_slice %arg3[%dma_wait3A_283, %dma_wait3A_284] : memref<2600000x32xf32, #tpu.memory_space<hbm>> -> memref<2600000x32xf32, #tpu.memory_space<hbm>>
      tpu.wait_indirect_dma semaphore(%arg12 : memref<!tpu.dma_semaphore, #tpu.memory_space<semaphore_mem>>) src(%dma_wait3A_285 : memref<2600000x32xf32, #tpu.memory_space<hbm>>) dst(%dma_wait3A_279 : memref<128x32xf32, #tpu.memory_space<vmem>>)
      %dma_wait3A_286 = arith.constant 1536 : i32
      %dma_wait3A_287 = arith.constant 0 : i32
      %dma_wait3A_288 = tpu.memref_slice %arg8[%dma_wait3A_286, %dma_wait3A_287] : memref<1664x32xf32, #tpu.memory_space<vmem>> -> memref<128x32xf32, #tpu.memory_space<vmem>>
      %dma_wait3A_289 = arith.constant 0 : i32
      %dma_wait3A_290 = tpu.memref_slice %arg7[%add3A_169, %dma_wait3A_289] : memref<104x128xi32, #tpu.memory_space<vmem>> -> memref<1x128xi32, #tpu.memory_space<vmem>>
      %dma_wait3A_291 = tpu.memref_squeeze %dma_wait3A_290 : memref<1x128xi32, #tpu.memory_space<vmem>> -> memref<128xi32, #tpu.memory_space<vmem>>
      %dma_wait3A_292 = arith.constant 0 : i32
      %dma_wait3A_293 = arith.constant 0 : i32
      %dma_wait3A_294 = tpu.memref_slice %arg3[%dma_wait3A_292, %dma_wait3A_293] : memref<2600000x32xf32, #tpu.memory_space<hbm>> -> memref<2600000x32xf32, #tpu.memory_space<hbm>>
      tpu.wait_indirect_dma semaphore(%arg12 : memref<!tpu.dma_semaphore, #tpu.memory_space<semaphore_mem>>) src(%dma_wait3A_294 : memref<2600000x32xf32, #tpu.memory_space<hbm>>) dst(%dma_wait3A_288 : memref<128x32xf32, #tpu.memory_space<vmem>>)
      %scan3A_295 = arith.constant 0 : i32
      %scan3A_296 = arith.constant 0 : i32
      %scan3A_297 = arith.constant 64 : i32
      %scan3A_298 = arith.addi %scan3A_296, %scan3A_297 : i32
      %scan3A_299 = arith.constant 1 : i32
      scf.for %scan3A_312 = %scan3A_296 to %scan3A_298 step %scan3A_299  : i32 {
        %mul3A_313 = arith.constant 64 : i32
        %mul3A_314 = arith.muli %scan3A_10, %mul3A_313 : i32
        %add3A_315 = arith.addi %mul3A_314, %scan3A_312 : i32
        %broadcast_in_dim3A = vector.broadcast %add3A_315 : i32 to vector<16xi32>
        %gather3A = tpu.vector_load_idx %arg11[%broadcast_in_dim3A] : memref<512xf32, #tpu.memory_space<vmem>>[vector<16xi32>], vector<16xf32>,
        %mul3A_316 = arith.constant 26 : i32
        %mul3A_317 = arith.muli %scan3A_312, %mul3A_316 : i32
        %add3A_318 = arith.constant 0 : i32
        %add3A_319 = arith.addi %mul3A_317, %add3A_318 : i32
        %get3A = arith.index_cast %add3A_319 : i32 to index
        %get3A_320 = arith.constant 0 : index
        %get3A_321 = tpu.vector_load %arg8[%get3A, %get3A_320] {strides = array<i32>} : memref<1664x32xf32, #tpu.memory_space<vmem>>, vector<16xf32>,
        %mul3A_322 = arith.mulf %get3A_321, %gather3A : vector<16xf32>
        %swap3A = arith.index_cast %scan3A_312 : i32 to index
        %swap3A_323 = arith.constant 0 : index
        %swap3A_324 = tpu.vector_load %arg9[%swap3A, %swap3A_323] {strides = array<i32>} : memref<64x848xf32, #tpu.memory_space<vmem>>, vector<16xf32>,
        tpu.vector_store %arg9[%swap3A, %swap3A_323], %mul3A_322 {strides = array<i32>} : memref<64x848xf32, #tpu.memory_space<vmem>>, vector<16xf32>,
        %add3A_325 = arith.constant 0 : i32
        %add3A_326 = arith.addi %mul3A_317, %add3A_325 : i32
        %get3A_327 = arith.index_cast %add3A_326 : i32 to index
        %get3A_328 = arith.constant 16 : index
        %get3A_329 = tpu.vector_load %arg8[%get3A_327, %get3A_328] {strides = array<i32>} : memref<1664x32xf32, #tpu.memory_space<vmem>>, vector<16xf32>,
        %mul3A_330 = arith.mulf %get3A_329, %gather3A : vector<16xf32>
        %swap3A_331 = arith.index_cast %scan3A_312 : i32 to index
        %swap3A_332 = arith.constant 16 : index
        %swap3A_333 = tpu.vector_load %arg9[%swap3A_331, %swap3A_332] {strides = array<i32>} : memref<64x848xf32, #tpu.memory_space<vmem>>, vector<16xf32>,
        tpu.vector_store %arg9[%swap3A_331, %swap3A_332], %mul3A_330 {strides = array<i32>} : memref<64x848xf32, #tpu.memory_space<vmem>>, vector<16xf32>,
        %add3A_334 = arith.constant 1 : i32
        %add3A_335 = arith.addi %mul3A_317, %add3A_334 : i32
        %get3A_336 = arith.index_cast %add3A_335 : i32 to index
        %get3A_337 = arith.constant 0 : index
        %get3A_338 = tpu.vector_load %arg8[%get3A_336, %get3A_337] {strides = array<i32>} : memref<1664x32xf32, #tpu.memory_space<vmem>>, vector<16xf32>,
        %mul3A_339 = arith.mulf %get3A_338, %gather3A : vector<16xf32>
        %swap3A_340 = arith.index_cast %scan3A_312 : i32 to index
        %swap3A_341 = arith.constant 32 : index
        %swap3A_342 = tpu.vector_load %arg9[%swap3A_340, %swap3A_341] {strides = array<i32>} : memref<64x848xf32, #tpu.memory_space<vmem>>, vector<16xf32>,
        tpu.vector_store %arg9[%swap3A_340, %swap3A_341], %mul3A_339 {strides = array<i32>} : memref<64x848xf32, #tpu.memory_space<vmem>>, vector<16xf32>,
        %add3A_343 = arith.constant 1 : i32
        %add3A_344 = arith.addi %mul3A_317, %add3A_343 : i32
        %get3A_345 = arith.index_cast %add3A_344 : i32 to index
        %get3A_346 = arith.constant 16 : index
        %get3A_347 = tpu.vector_load %arg8[%get3A_345, %get3A_346] {strides = array<i32>} : memref<1664x32xf32, #tpu.memory_space<vmem>>, vector<16xf32>,
        %mul3A_348 = arith.mulf %get3A_347, %gather3A : vector<16xf32>
        %swap3A_349 = arith.index_cast %scan3A_312 : i32 to index
        %swap3A_350 = arith.constant 48 : index
        %swap3A_351 = tpu.vector_load %arg9[%swap3A_349, %swap3A_350] {strides = array<i32>} : memref<64x848xf32, #tpu.memory_space<vmem>>, vector<16xf32>,
        tpu.vector_store %arg9[%swap3A_349, %swap3A_350], %mul3A_348 {strides = array<i32>} : memref<64x848xf32, #tpu.memory_space<vmem>>, vector<16xf32>,
        %add3A_352 = arith.constant 2 : i32
        %add3A_353 = arith.addi %mul3A_317, %add3A_352 : i32
        %get3A_354 = arith.index_cast %add3A_353 : i32 to index
        %get3A_355 = arith.constant 0 : index
        %get3A_356 = tpu.vector_load %arg8[%get3A_354, %get3A_355] {strides = array<i32>} : memref<1664x32xf32, #tpu.memory_space<vmem>>, vector<16xf32>,
        %mul3A_357 = arith.mulf %get3A_356, %gather3A : vector<16xf32>
        %swap3A_358 = arith.index_cast %scan3A_312 : i32 to index
        %swap3A_359 = arith.constant 64 : index
        %swap3A_360 = tpu.vector_load %arg9[%swap3A_358, %swap3A_359] {strides = array<i32>} : memref<64x848xf32, #tpu.memory_space<vmem>>, vector<16xf32>,
        tpu.vector_store %arg9[%swap3A_358, %swap3A_359], %mul3A_357 {strides = array<i32>} : memref<64x848xf32, #tpu.memory_space<vmem>>, vector<16xf32>,
        %add3A_361 = arith.constant 2 : i32
        %add3A_362 = arith.addi %mul3A_317, %add3A_361 : i32
        %get3A_363 = arith.index_cast %add3A_362 : i32 to index
        %get3A_364 = arith.constant 16 : index
        %get3A_365 = tpu.vector_load %arg8[%get3A_363, %get3A_364] {strides = array<i32>} : memref<1664x32xf32, #tpu.memory_space<vmem>>, vector<16xf32>,
        %mul3A_366 = arith.mulf %get3A_365, %gather3A : vector<16xf32>
        %swap3A_367 = arith.index_cast %scan3A_312 : i32 to index
        %swap3A_368 = arith.constant 80 : index
        %swap3A_369 = tpu.vector_load %arg9[%swap3A_367, %swap3A_368] {strides = array<i32>} : memref<64x848xf32, #tpu.memory_space<vmem>>, vector<16xf32>,
        tpu.vector_store %arg9[%swap3A_367, %swap3A_368], %mul3A_366 {strides = array<i32>} : memref<64x848xf32, #tpu.memory_space<vmem>>, vector<16xf32>,
        %add3A_370 = arith.constant 3 : i32
        %add3A_371 = arith.addi %mul3A_317, %add3A_370 : i32
        %get3A_372 = arith.index_cast %add3A_371 : i32 to index
        %get3A_373 = arith.constant 0 : index
        %get3A_374 = tpu.vector_load %arg8[%get3A_372, %get3A_373] {strides = array<i32>} : memref<1664x32xf32, #tpu.memory_space<vmem>>, vector<16xf32>,
        %mul3A_375 = arith.mulf %get3A_374, %gather3A : vector<16xf32>
        %swap3A_376 = arith.index_cast %scan3A_312 : i32 to index
        %swap3A_377 = arith.constant 96 : index
        %swap3A_378 = tpu.vector_load %arg9[%swap3A_376, %swap3A_377] {strides = array<i32>} : memref<64x848xf32, #tpu.memory_space<vmem>>, vector<16xf32>,
        tpu.vector_store %arg9[%swap3A_376, %swap3A_377], %mul3A_375 {strides = array<i32>} : memref<64x848xf32, #tpu.memory_space<vmem>>, vector<16xf32>,
        %add3A_379 = arith.constant 3 : i32
        %add3A_380 = arith.addi %mul3A_317, %add3A_379 : i32
        %get3A_381 = arith.index_cast %add3A_380 : i32 to index
        %get3A_382 = arith.constant 16 : index
        %get3A_383 = tpu.vector_load %arg8[%get3A_381, %get3A_382] {strides = array<i32>} : memref<1664x32xf32, #tpu.memory_space<vmem>>, vector<16xf32>,
        %mul3A_384 = arith.mulf %get3A_383, %gather3A : vector<16xf32>
        %swap3A_385 = arith.index_cast %scan3A_312 : i32 to index
        %swap3A_386 = arith.constant 112 : index
        %swap3A_387 = tpu.vector_load %arg9[%swap3A_385, %swap3A_386] {strides = array<i32>} : memref<64x848xf32, #tpu.memory_space<vmem>>, vector<16xf32>,
        tpu.vector_store %arg9[%swap3A_385, %swap3A_386], %mul3A_384 {strides = array<i32>} : memref<64x848xf32, #tpu.memory_space<vmem>>, vector<16xf32>,
        %add3A_388 = arith.constant 4 : i32
        %add3A_389 = arith.addi %mul3A_317, %add3A_388 : i32
        %get3A_390 = arith.index_cast %add3A_389 : i32 to index
        %get3A_391 = arith.constant 0 : index
        %get3A_392 = tpu.vector_load %arg8[%get3A_390, %get3A_391] {strides = array<i32>} : memref<1664x32xf32, #tpu.memory_space<vmem>>, vector<16xf32>,
        %mul3A_393 = arith.mulf %get3A_392, %gather3A : vector<16xf32>
        %swap3A_394 = arith.index_cast %scan3A_312 : i32 to index
        %swap3A_395 = arith.constant 128 : index
        %swap3A_396 = tpu.vector_load %arg9[%swap3A_394, %swap3A_395] {strides = array<i32>} : memref<64x848xf32, #tpu.memory_space<vmem>>, vector<16xf32>,
        tpu.vector_store %arg9[%swap3A_394, %swap3A_395], %mul3A_393 {strides = array<i32>} : memref<64x848xf32, #tpu.memory_space<vmem>>, vector<16xf32>,
        %add3A_397 = arith.constant 4 : i32
        %add3A_398 = arith.addi %mul3A_317, %add3A_397 : i32
        %get3A_399 = arith.index_cast %add3A_398 : i32 to index
        %get3A_400 = arith.constant 16 : index
        %get3A_401 = tpu.vector_load %arg8[%get3A_399, %get3A_400] {strides = array<i32>} : memref<1664x32xf32, #tpu.memory_space<vmem>>, vector<16xf32>,
        %mul3A_402 = arith.mulf %get3A_401, %gather3A : vector<16xf32>
        %swap3A_403 = arith.index_cast %scan3A_312 : i32 to index
        %swap3A_404 = arith.constant 144 : index
        %swap3A_405 = tpu.vector_load %arg9[%swap3A_403, %swap3A_404] {strides = array<i32>} : memref<64x848xf32, #tpu.memory_space<vmem>>, vector<16xf32>,
        tpu.vector_store %arg9[%swap3A_403, %swap3A_404], %mul3A_402 {strides = array<i32>} : memref<64x848xf32, #tpu.memory_space<vmem>>, vector<16xf32>,
        %add3A_406 = arith.constant 5 : i32
        %add3A_407 = arith.addi %mul3A_317, %add3A_406 : i32
        %get3A_408 = arith.index_cast %add3A_407 : i32 to index
        %get3A_409 = arith.constant 0 : index
        %get3A_410 = tpu.vector_load %arg8[%get3A_408, %get3A_409] {strides = array<i32>} : memref<1664x32xf32, #tpu.memory_space<vmem>>, vector<16xf32>,
        %mul3A_411 = arith.mulf %get3A_410, %gather3A : vector<16xf32>
        %swap3A_412 = arith.index_cast %scan3A_312 : i32 to index
        %swap3A_413 = arith.constant 160 : index
        %swap3A_414 = tpu.vector_load %arg9[%swap3A_412, %swap3A_413] {strides = array<i32>} : memref<64x848xf32, #tpu.memory_space<vmem>>, vector<16xf32>,
        tpu.vector_store %arg9[%swap3A_412, %swap3A_413], %mul3A_411 {strides = array<i32>} : memref<64x848xf32, #tpu.memory_space<vmem>>, vector<16xf32>,
        %add3A_415 = arith.constant 5 : i32
        %add3A_416 = arith.addi %mul3A_317, %add3A_415 : i32
        %get3A_417 = arith.index_cast %add3A_416 : i32 to index
        %get3A_418 = arith.constant 16 : index
        %get3A_419 = tpu.vector_load %arg8[%get3A_417, %get3A_418] {strides = array<i32>} : memref<1664x32xf32, #tpu.memory_space<vmem>>, vector<16xf32>,
        %mul3A_420 = arith.mulf %get3A_419, %gather3A : vector<16xf32>
        %swap3A_421 = arith.index_cast %scan3A_312 : i32 to index
        %swap3A_422 = arith.constant 176 : index
        %swap3A_423 = tpu.vector_load %arg9[%swap3A_421, %swap3A_422] {strides = array<i32>} : memref<64x848xf32, #tpu.memory_space<vmem>>, vector<16xf32>,
        tpu.vector_store %arg9[%swap3A_421, %swap3A_422], %mul3A_420 {strides = array<i32>} : memref<64x848xf32, #tpu.memory_space<vmem>>, vector<16xf32>,
        %add3A_424 = arith.constant 6 : i32
        %add3A_425 = arith.addi %mul3A_317, %add3A_424 : i32
        %get3A_426 = arith.index_cast %add3A_425 : i32 to index
        %get3A_427 = arith.constant 0 : index
        %get3A_428 = tpu.vector_load %arg8[%get3A_426, %get3A_427] {strides = array<i32>} : memref<1664x32xf32, #tpu.memory_space<vmem>>, vector<16xf32>,
        %mul3A_429 = arith.mulf %get3A_428, %gather3A : vector<16xf32>
        %swap3A_430 = arith.index_cast %scan3A_312 : i32 to index
        %swap3A_431 = arith.constant 192 : index
        %swap3A_432 = tpu.vector_load %arg9[%swap3A_430, %swap3A_431] {strides = array<i32>} : memref<64x848xf32, #tpu.memory_space<vmem>>, vector<16xf32>,
        tpu.vector_store %arg9[%swap3A_430, %swap3A_431], %mul3A_429 {strides = array<i32>} : memref<64x848xf32, #tpu.memory_space<vmem>>, vector<16xf32>,
        %add3A_433 = arith.constant 6 : i32
        %add3A_434 = arith.addi %mul3A_317, %add3A_433 : i32
        %get3A_435 = arith.index_cast %add3A_434 : i32 to index
        %get3A_436 = arith.constant 16 : index
        %get3A_437 = tpu.vector_load %arg8[%get3A_435, %get3A_436] {strides = array<i32>} : memref<1664x32xf32, #tpu.memory_space<vmem>>, vector<16xf32>,
        %mul3A_438 = arith.mulf %get3A_437, %gather3A : vector<16xf32>
        %swap3A_439 = arith.index_cast %scan3A_312 : i32 to index
        %swap3A_440 = arith.constant 208 : index
        %swap3A_441 = tpu.vector_load %arg9[%swap3A_439, %swap3A_440] {strides = array<i32>} : memref<64x848xf32, #tpu.memory_space<vmem>>, vector<16xf32>,
        tpu.vector_store %arg9[%swap3A_439, %swap3A_440], %mul3A_438 {strides = array<i32>} : memref<64x848xf32, #tpu.memory_space<vmem>>, vector<16xf32>,
        %add3A_442 = arith.constant 7 : i32
        %add3A_443 = arith.addi %mul3A_317, %add3A_442 : i32
        %get3A_444 = arith.index_cast %add3A_443 : i32 to index
        %get3A_445 = arith.constant 0 : index
        %get3A_446 = tpu.vector_load %arg8[%get3A_444, %get3A_445] {strides = array<i32>} : memref<1664x32xf32, #tpu.memory_space<vmem>>, vector<16xf32>,
        %mul3A_447 = arith.mulf %get3A_446, %gather3A : vector<16xf32>
        %swap3A_448 = arith.index_cast %scan3A_312 : i32 to index
        %swap3A_449 = arith.constant 224 : index
        %swap3A_450 = tpu.vector_load %arg9[%swap3A_448, %swap3A_449] {strides = array<i32>} : memref<64x848xf32, #tpu.memory_space<vmem>>, vector<16xf32>,
        tpu.vector_store %arg9[%swap3A_448, %swap3A_449], %mul3A_447 {strides = array<i32>} : memref<64x848xf32, #tpu.memory_space<vmem>>, vector<16xf32>,
        %add3A_451 = arith.constant 7 : i32
        %add3A_452 = arith.addi %mul3A_317, %add3A_451 : i32
        %get3A_453 = arith.index_cast %add3A_452 : i32 to index
        %get3A_454 = arith.constant 16 : index
        %get3A_455 = tpu.vector_load %arg8[%get3A_453, %get3A_454] {strides = array<i32>} : memref<1664x32xf32, #tpu.memory_space<vmem>>, vector<16xf32>,
        %mul3A_456 = arith.mulf %get3A_455, %gather3A : vector<16xf32>
        %swap3A_457 = arith.index_cast %scan3A_312 : i32 to index
        %swap3A_458 = arith.constant 240 : index
        %swap3A_459 = tpu.vector_load %arg9[%swap3A_457, %swap3A_458] {strides = array<i32>} : memref<64x848xf32, #tpu.memory_space<vmem>>, vector<16xf32>,
        tpu.vector_store %arg9[%swap3A_457, %swap3A_458], %mul3A_456 {strides = array<i32>} : memref<64x848xf32, #tpu.memory_space<vmem>>, vector<16xf32>,
        %add3A_460 = arith.constant 8 : i32
        %add3A_461 = arith.addi %mul3A_317, %add3A_460 : i32
        %get3A_462 = arith.index_cast %add3A_461 : i32 to index
        %get3A_463 = arith.constant 0 : index
        %get3A_464 = tpu.vector_load %arg8[%get3A_462, %get3A_463] {strides = array<i32>} : memref<1664x32xf32, #tpu.memory_space<vmem>>, vector<16xf32>,
        %mul3A_465 = arith.mulf %get3A_464, %gather3A : vector<16xf32>
        %swap3A_466 = arith.index_cast %scan3A_312 : i32 to index
        %swap3A_467 = arith.constant 256 : index
        %swap3A_468 = tpu.vector_load %arg9[%swap3A_466, %swap3A_467] {strides = array<i32>} : memref<64x848xf32, #tpu.memory_space<vmem>>, vector<16xf32>,
        tpu.vector_store %arg9[%swap3A_466, %swap3A_467], %mul3A_465 {strides = array<i32>} : memref<64x848xf32, #tpu.memory_space<vmem>>, vector<16xf32>,
        %add3A_469 = arith.constant 8 : i32
        %add3A_470 = arith.addi %mul3A_317, %add3A_469 : i32
        %get3A_471 = arith.index_cast %add3A_470 : i32 to index
        %get3A_472 = arith.constant 16 : index
        %get3A_473 = tpu.vector_load %arg8[%get3A_471, %get3A_472] {strides = array<i32>} : memref<1664x32xf32, #tpu.memory_space<vmem>>, vector<16xf32>,
        %mul3A_474 = arith.mulf %get3A_473, %gather3A : vector<16xf32>
        %swap3A_475 = arith.index_cast %scan3A_312 : i32 to index
        %swap3A_476 = arith.constant 272 : index
        %swap3A_477 = tpu.vector_load %arg9[%swap3A_475, %swap3A_476] {strides = array<i32>} : memref<64x848xf32, #tpu.memory_space<vmem>>, vector<16xf32>,
        tpu.vector_store %arg9[%swap3A_475, %swap3A_476], %mul3A_474 {strides = array<i32>} : memref<64x848xf32, #tpu.memory_space<vmem>>, vector<16xf32>,
        %add3A_478 = arith.constant 9 : i32
        %add3A_479 = arith.addi %mul3A_317, %add3A_478 : i32
        %get3A_480 = arith.index_cast %add3A_479 : i32 to index
        %get3A_481 = arith.constant 0 : index
        %get3A_482 = tpu.vector_load %arg8[%get3A_480, %get3A_481] {strides = array<i32>} : memref<1664x32xf32, #tpu.memory_space<vmem>>, vector<16xf32>,
        %mul3A_483 = arith.mulf %get3A_482, %gather3A : vector<16xf32>
        %swap3A_484 = arith.index_cast %scan3A_312 : i32 to index
        %swap3A_485 = arith.constant 288 : index
        %swap3A_486 = tpu.vector_load %arg9[%swap3A_484, %swap3A_485] {strides = array<i32>} : memref<64x848xf32, #tpu.memory_space<vmem>>, vector<16xf32>,
        tpu.vector_store %arg9[%swap3A_484, %swap3A_485], %mul3A_483 {strides = array<i32>} : memref<64x848xf32, #tpu.memory_space<vmem>>, vector<16xf32>,
        %add3A_487 = arith.constant 9 : i32
        %add3A_488 = arith.addi %mul3A_317, %add3A_487 : i32
        %get3A_489 = arith.index_cast %add3A_488 : i32 to index
        %get3A_490 = arith.constant 16 : index
        %get3A_491 = tpu.vector_load %arg8[%get3A_489, %get3A_490] {strides = array<i32>} : memref<1664x32xf32, #tpu.memory_space<vmem>>, vector<16xf32>,
        %mul3A_492 = arith.mulf %get3A_491, %gather3A : vector<16xf32>
        %swap3A_493 = arith.index_cast %scan3A_312 : i32 to index
        %swap3A_494 = arith.constant 304 : index
        %swap3A_495 = tpu.vector_load %arg9[%swap3A_493, %swap3A_494] {strides = array<i32>} : memref<64x848xf32, #tpu.memory_space<vmem>>, vector<16xf32>,
        tpu.vector_store %arg9[%swap3A_493, %swap3A_494], %mul3A_492 {strides = array<i32>} : memref<64x848xf32, #tpu.memory_space<vmem>>, vector<16xf32>,
        %add3A_496 = arith.constant 10 : i32
        %add3A_497 = arith.addi %mul3A_317, %add3A_496 : i32
        %get3A_498 = arith.index_cast %add3A_497 : i32 to index
        %get3A_499 = arith.constant 0 : index
        %get3A_500 = tpu.vector_load %arg8[%get3A_498, %get3A_499] {strides = array<i32>} : memref<1664x32xf32, #tpu.memory_space<vmem>>, vector<16xf32>,
        %mul3A_501 = arith.mulf %get3A_500, %gather3A : vector<16xf32>
        %swap3A_502 = arith.index_cast %scan3A_312 : i32 to index
        %swap3A_503 = arith.constant 320 : index
        %swap3A_504 = tpu.vector_load %arg9[%swap3A_502, %swap3A_503] {strides = array<i32>} : memref<64x848xf32, #tpu.memory_space<vmem>>, vector<16xf32>,
        tpu.vector_store %arg9[%swap3A_502, %swap3A_503], %mul3A_501 {strides = array<i32>} : memref<64x848xf32, #tpu.memory_space<vmem>>, vector<16xf32>,
        %add3A_505 = arith.constant 10 : i32
        %add3A_506 = arith.addi %mul3A_317, %add3A_505 : i32
        %get3A_507 = arith.index_cast %add3A_506 : i32 to index
        %get3A_508 = arith.constant 16 : index
        %get3A_509 = tpu.vector_load %arg8[%get3A_507, %get3A_508] {strides = array<i32>} : memref<1664x32xf32, #tpu.memory_space<vmem>>, vector<16xf32>,
        %mul3A_510 = arith.mulf %get3A_509, %gather3A : vector<16xf32>
        %swap3A_511 = arith.index_cast %scan3A_312 : i32 to index
        %swap3A_512 = arith.constant 336 : index
        %swap3A_513 = tpu.vector_load %arg9[%swap3A_511, %swap3A_512] {strides = array<i32>} : memref<64x848xf32, #tpu.memory_space<vmem>>, vector<16xf32>,
        tpu.vector_store %arg9[%swap3A_511, %swap3A_512], %mul3A_510 {strides = array<i32>} : memref<64x848xf32, #tpu.memory_space<vmem>>, vector<16xf32>,
        %add3A_514 = arith.constant 11 : i32
        %add3A_515 = arith.addi %mul3A_317, %add3A_514 : i32
        %get3A_516 = arith.index_cast %add3A_515 : i32 to index
        %get3A_517 = arith.constant 0 : index
        %get3A_518 = tpu.vector_load %arg8[%get3A_516, %get3A_517] {strides = array<i32>} : memref<1664x32xf32, #tpu.memory_space<vmem>>, vector<16xf32>,
        %mul3A_519 = arith.mulf %get3A_518, %gather3A : vector<16xf32>
        %swap3A_520 = arith.index_cast %scan3A_312 : i32 to index
        %swap3A_521 = arith.constant 352 : index
        %swap3A_522 = tpu.vector_load %arg9[%swap3A_520, %swap3A_521] {strides = array<i32>} : memref<64x848xf32, #tpu.memory_space<vmem>>, vector<16xf32>,
        tpu.vector_store %arg9[%swap3A_520, %swap3A_521], %mul3A_519 {strides = array<i32>} : memref<64x848xf32, #tpu.memory_space<vmem>>, vector<16xf32>,
        %add3A_523 = arith.constant 11 : i32
        %add3A_524 = arith.addi %mul3A_317, %add3A_523 : i32
        %get3A_525 = arith.index_cast %add3A_524 : i32 to index
        %get3A_526 = arith.constant 16 : index
        %get3A_527 = tpu.vector_load %arg8[%get3A_525, %get3A_526] {strides = array<i32>} : memref<1664x32xf32, #tpu.memory_space<vmem>>, vector<16xf32>,
        %mul3A_528 = arith.mulf %get3A_527, %gather3A : vector<16xf32>
        %swap3A_529 = arith.index_cast %scan3A_312 : i32 to index
        %swap3A_530 = arith.constant 368 : index
        %swap3A_531 = tpu.vector_load %arg9[%swap3A_529, %swap3A_530] {strides = array<i32>} : memref<64x848xf32, #tpu.memory_space<vmem>>, vector<16xf32>,
        tpu.vector_store %arg9[%swap3A_529, %swap3A_530], %mul3A_528 {strides = array<i32>} : memref<64x848xf32, #tpu.memory_space<vmem>>, vector<16xf32>,
        %add3A_532 = arith.constant 12 : i32
        %add3A_533 = arith.addi %mul3A_317, %add3A_532 : i32
        %get3A_534 = arith.index_cast %add3A_533 : i32 to index
        %get3A_535 = arith.constant 0 : index
        %get3A_536 = tpu.vector_load %arg8[%get3A_534, %get3A_535] {strides = array<i32>} : memref<1664x32xf32, #tpu.memory_space<vmem>>, vector<16xf32>,
        %mul3A_537 = arith.mulf %get3A_536, %gather3A : vector<16xf32>
        %swap3A_538 = arith.index_cast %scan3A_312 : i32 to index
        %swap3A_539 = arith.constant 384 : index
        %swap3A_540 = tpu.vector_load %arg9[%swap3A_538, %swap3A_539] {strides = array<i32>} : memref<64x848xf32, #tpu.memory_space<vmem>>, vector<16xf32>,
        tpu.vector_store %arg9[%swap3A_538, %swap3A_539], %mul3A_537 {strides = array<i32>} : memref<64x848xf32, #tpu.memory_space<vmem>>, vector<16xf32>,
        %add3A_541 = arith.constant 12 : i32
        %add3A_542 = arith.addi %mul3A_317, %add3A_541 : i32
        %get3A_543 = arith.index_cast %add3A_542 : i32 to index
        %get3A_544 = arith.constant 16 : index
        %get3A_545 = tpu.vector_load %arg8[%get3A_543, %get3A_544] {strides = array<i32>} : memref<1664x32xf32, #tpu.memory_space<vmem>>, vector<16xf32>,
        %mul3A_546 = arith.mulf %get3A_545, %gather3A : vector<16xf32>
        %swap3A_547 = arith.index_cast %scan3A_312 : i32 to index
        %swap3A_548 = arith.constant 400 : index
        %swap3A_549 = tpu.vector_load %arg9[%swap3A_547, %swap3A_548] {strides = array<i32>} : memref<64x848xf32, #tpu.memory_space<vmem>>, vector<16xf32>,
        tpu.vector_store %arg9[%swap3A_547, %swap3A_548], %mul3A_546 {strides = array<i32>} : memref<64x848xf32, #tpu.memory_space<vmem>>, vector<16xf32>,
        %add3A_550 = arith.constant 13 : i32
        %add3A_551 = arith.addi %mul3A_317, %add3A_550 : i32
        %get3A_552 = arith.index_cast %add3A_551 : i32 to index
        %get3A_553 = arith.constant 0 : index
        %get3A_554 = tpu.vector_load %arg8[%get3A_552, %get3A_553] {strides = array<i32>} : memref<1664x32xf32, #tpu.memory_space<vmem>>, vector<16xf32>,
        %mul3A_555 = arith.mulf %get3A_554, %gather3A : vector<16xf32>
        %swap3A_556 = arith.index_cast %scan3A_312 : i32 to index
        %swap3A_557 = arith.constant 416 : index
        %swap3A_558 = tpu.vector_load %arg9[%swap3A_556, %swap3A_557] {strides = array<i32>} : memref<64x848xf32, #tpu.memory_space<vmem>>, vector<16xf32>,
        tpu.vector_store %arg9[%swap3A_556, %swap3A_557], %mul3A_555 {strides = array<i32>} : memref<64x848xf32, #tpu.memory_space<vmem>>, vector<16xf32>,
        %add3A_559 = arith.constant 13 : i32
        %add3A_560 = arith.addi %mul3A_317, %add3A_559 : i32
        %get3A_561 = arith.index_cast %add3A_560 : i32 to index
        %get3A_562 = arith.constant 16 : index
        %get3A_563 = tpu.vector_load %arg8[%get3A_561, %get3A_562] {strides = array<i32>} : memref<1664x32xf32, #tpu.memory_space<vmem>>, vector<16xf32>,
        %mul3A_564 = arith.mulf %get3A_563, %gather3A : vector<16xf32>
        %swap3A_565 = arith.index_cast %scan3A_312 : i32 to index
        %swap3A_566 = arith.constant 432 : index
        %swap3A_567 = tpu.vector_load %arg9[%swap3A_565, %swap3A_566] {strides = array<i32>} : memref<64x848xf32, #tpu.memory_space<vmem>>, vector<16xf32>,
        tpu.vector_store %arg9[%swap3A_565, %swap3A_566], %mul3A_564 {strides = array<i32>} : memref<64x848xf32, #tpu.memory_space<vmem>>, vector<16xf32>,
        %add3A_568 = arith.constant 14 : i32
        %add3A_569 = arith.addi %mul3A_317, %add3A_568 : i32
        %get3A_570 = arith.index_cast %add3A_569 : i32 to index
        %get3A_571 = arith.constant 0 : index
        %get3A_572 = tpu.vector_load %arg8[%get3A_570, %get3A_571] {strides = array<i32>} : memref<1664x32xf32, #tpu.memory_space<vmem>>, vector<16xf32>,
        %mul3A_573 = arith.mulf %get3A_572, %gather3A : vector<16xf32>
        %swap3A_574 = arith.index_cast %scan3A_312 : i32 to index
        %swap3A_575 = arith.constant 448 : index
        %swap3A_576 = tpu.vector_load %arg9[%swap3A_574, %swap3A_575] {strides = array<i32>} : memref<64x848xf32, #tpu.memory_space<vmem>>, vector<16xf32>,
        tpu.vector_store %arg9[%swap3A_574, %swap3A_575], %mul3A_573 {strides = array<i32>} : memref<64x848xf32, #tpu.memory_space<vmem>>, vector<16xf32>,
        %add3A_577 = arith.constant 14 : i32
        %add3A_578 = arith.addi %mul3A_317, %add3A_577 : i32
        %get3A_579 = arith.index_cast %add3A_578 : i32 to index
        %get3A_580 = arith.constant 16 : index
        %get3A_581 = tpu.vector_load %arg8[%get3A_579, %get3A_580] {strides = array<i32>} : memref<1664x32xf32, #tpu.memory_space<vmem>>, vector<16xf32>,
        %mul3A_582 = arith.mulf %get3A_581, %gather3A : vector<16xf32>
        %swap3A_583 = arith.index_cast %scan3A_312 : i32 to index
        %swap3A_584 = arith.constant 464 : index
        %swap3A_585 = tpu.vector_load %arg9[%swap3A_583, %swap3A_584] {strides = array<i32>} : memref<64x848xf32, #tpu.memory_space<vmem>>, vector<16xf32>,
        tpu.vector_store %arg9[%swap3A_583, %swap3A_584], %mul3A_582 {strides = array<i32>} : memref<64x848xf32, #tpu.memory_space<vmem>>, vector<16xf32>,
        %add3A_586 = arith.constant 15 : i32
        %add3A_587 = arith.addi %mul3A_317, %add3A_586 : i32
        %get3A_588 = arith.index_cast %add3A_587 : i32 to index
        %get3A_589 = arith.constant 0 : index
        %get3A_590 = tpu.vector_load %arg8[%get3A_588, %get3A_589] {strides = array<i32>} : memref<1664x32xf32, #tpu.memory_space<vmem>>, vector<16xf32>,
        %mul3A_591 = arith.mulf %get3A_590, %gather3A : vector<16xf32>
        %swap3A_592 = arith.index_cast %scan3A_312 : i32 to index
        %swap3A_593 = arith.constant 480 : index
        %swap3A_594 = tpu.vector_load %arg9[%swap3A_592, %swap3A_593] {strides = array<i32>} : memref<64x848xf32, #tpu.memory_space<vmem>>, vector<16xf32>,
        tpu.vector_store %arg9[%swap3A_592, %swap3A_593], %mul3A_591 {strides = array<i32>} : memref<64x848xf32, #tpu.memory_space<vmem>>, vector<16xf32>,
        %add3A_595 = arith.constant 15 : i32
        %add3A_596 = arith.addi %mul3A_317, %add3A_595 : i32
        %get3A_597 = arith.index_cast %add3A_596 : i32 to index
        %get3A_598 = arith.constant 16 : index
        %get3A_599 = tpu.vector_load %arg8[%get3A_597, %get3A_598] {strides = array<i32>} : memref<1664x32xf32, #tpu.memory_space<vmem>>, vector<16xf32>,
        %mul3A_600 = arith.mulf %get3A_599, %gather3A : vector<16xf32>
        %swap3A_601 = arith.index_cast %scan3A_312 : i32 to index
        %swap3A_602 = arith.constant 496 : index
        %swap3A_603 = tpu.vector_load %arg9[%swap3A_601, %swap3A_602] {strides = array<i32>} : memref<64x848xf32, #tpu.memory_space<vmem>>, vector<16xf32>,
        tpu.vector_store %arg9[%swap3A_601, %swap3A_602], %mul3A_600 {strides = array<i32>} : memref<64x848xf32, #tpu.memory_space<vmem>>, vector<16xf32>,
        %add3A_604 = arith.constant 16 : i32
        %add3A_605 = arith.addi %mul3A_317, %add3A_604 : i32
        %get3A_606 = arith.index_cast %add3A_605 : i32 to index
        %get3A_607 = arith.constant 0 : index
        %get3A_608 = tpu.vector_load %arg8[%get3A_606, %get3A_607] {strides = array<i32>} : memref<1664x32xf32, #tpu.memory_space<vmem>>, vector<16xf32>,
        %mul3A_609 = arith.mulf %get3A_608, %gather3A : vector<16xf32>
        %swap3A_610 = arith.index_cast %scan3A_312 : i32 to index
        %swap3A_611 = arith.constant 512 : index
        %swap3A_612 = tpu.vector_load %arg9[%swap3A_610, %swap3A_611] {strides = array<i32>} : memref<64x848xf32, #tpu.memory_space<vmem>>, vector<16xf32>,
        tpu.vector_store %arg9[%swap3A_610, %swap3A_611], %mul3A_609 {strides = array<i32>} : memref<64x848xf32, #tpu.memory_space<vmem>>, vector<16xf32>,
        %add3A_613 = arith.constant 16 : i32
        %add3A_614 = arith.addi %mul3A_317, %add3A_613 : i32
        %get3A_615 = arith.index_cast %add3A_614 : i32 to index
        %get3A_616 = arith.constant 16 : index
        %get3A_617 = tpu.vector_load %arg8[%get3A_615, %get3A_616] {strides = array<i32>} : memref<1664x32xf32, #tpu.memory_space<vmem>>, vector<16xf32>,
        %mul3A_618 = arith.mulf %get3A_617, %gather3A : vector<16xf32>
        %swap3A_619 = arith.index_cast %scan3A_312 : i32 to index
        %swap3A_620 = arith.constant 528 : index
        %swap3A_621 = tpu.vector_load %arg9[%swap3A_619, %swap3A_620] {strides = array<i32>} : memref<64x848xf32, #tpu.memory_space<vmem>>, vector<16xf32>,
        tpu.vector_store %arg9[%swap3A_619, %swap3A_620], %mul3A_618 {strides = array<i32>} : memref<64x848xf32, #tpu.memory_space<vmem>>, vector<16xf32>,
        %add3A_622 = arith.constant 17 : i32
        %add3A_623 = arith.addi %mul3A_317, %add3A_622 : i32
        %get3A_624 = arith.index_cast %add3A_623 : i32 to index
        %get3A_625 = arith.constant 0 : index
        %get3A_626 = tpu.vector_load %arg8[%get3A_624, %get3A_625] {strides = array<i32>} : memref<1664x32xf32, #tpu.memory_space<vmem>>, vector<16xf32>,
        %mul3A_627 = arith.mulf %get3A_626, %gather3A : vector<16xf32>
        %swap3A_628 = arith.index_cast %scan3A_312 : i32 to index
        %swap3A_629 = arith.constant 544 : index
        %swap3A_630 = tpu.vector_load %arg9[%swap3A_628, %swap3A_629] {strides = array<i32>} : memref<64x848xf32, #tpu.memory_space<vmem>>, vector<16xf32>,
        tpu.vector_store %arg9[%swap3A_628, %swap3A_629], %mul3A_627 {strides = array<i32>} : memref<64x848xf32, #tpu.memory_space<vmem>>, vector<16xf32>,
        %add3A_631 = arith.constant 17 : i32
        %add3A_632 = arith.addi %mul3A_317, %add3A_631 : i32
        %get3A_633 = arith.index_cast %add3A_632 : i32 to index
        %get3A_634 = arith.constant 16 : index
        %get3A_635 = tpu.vector_load %arg8[%get3A_633, %get3A_634] {strides = array<i32>} : memref<1664x32xf32, #tpu.memory_space<vmem>>, vector<16xf32>,
        %mul3A_636 = arith.mulf %get3A_635, %gather3A : vector<16xf32>
        %swap3A_637 = arith.index_cast %scan3A_312 : i32 to index
        %swap3A_638 = arith.constant 560 : index
        %swap3A_639 = tpu.vector_load %arg9[%swap3A_637, %swap3A_638] {strides = array<i32>} : memref<64x848xf32, #tpu.memory_space<vmem>>, vector<16xf32>,
        tpu.vector_store %arg9[%swap3A_637, %swap3A_638], %mul3A_636 {strides = array<i32>} : memref<64x848xf32, #tpu.memory_space<vmem>>, vector<16xf32>,
        %add3A_640 = arith.constant 18 : i32
        %add3A_641 = arith.addi %mul3A_317, %add3A_640 : i32
        %get3A_642 = arith.index_cast %add3A_641 : i32 to index
        %get3A_643 = arith.constant 0 : index
        %get3A_644 = tpu.vector_load %arg8[%get3A_642, %get3A_643] {strides = array<i32>} : memref<1664x32xf32, #tpu.memory_space<vmem>>, vector<16xf32>,
        %mul3A_645 = arith.mulf %get3A_644, %gather3A : vector<16xf32>
        %swap3A_646 = arith.index_cast %scan3A_312 : i32 to index
        %swap3A_647 = arith.constant 576 : index
        %swap3A_648 = tpu.vector_load %arg9[%swap3A_646, %swap3A_647] {strides = array<i32>} : memref<64x848xf32, #tpu.memory_space<vmem>>, vector<16xf32>,
        tpu.vector_store %arg9[%swap3A_646, %swap3A_647], %mul3A_645 {strides = array<i32>} : memref<64x848xf32, #tpu.memory_space<vmem>>, vector<16xf32>,
        %add3A_649 = arith.constant 18 : i32
        %add3A_650 = arith.addi %mul3A_317, %add3A_649 : i32
        %get3A_651 = arith.index_cast %add3A_650 : i32 to index
        %get3A_652 = arith.constant 16 : index
        %get3A_653 = tpu.vector_load %arg8[%get3A_651, %get3A_652] {strides = array<i32>} : memref<1664x32xf32, #tpu.memory_space<vmem>>, vector<16xf32>,
        %mul3A_654 = arith.mulf %get3A_653, %gather3A : vector<16xf32>
        %swap3A_655 = arith.index_cast %scan3A_312 : i32 to index
        %swap3A_656 = arith.constant 592 : index
        %swap3A_657 = tpu.vector_load %arg9[%swap3A_655, %swap3A_656] {strides = array<i32>} : memref<64x848xf32, #tpu.memory_space<vmem>>, vector<16xf32>,
        tpu.vector_store %arg9[%swap3A_655, %swap3A_656], %mul3A_654 {strides = array<i32>} : memref<64x848xf32, #tpu.memory_space<vmem>>, vector<16xf32>,
        %add3A_658 = arith.constant 19 : i32
        %add3A_659 = arith.addi %mul3A_317, %add3A_658 : i32
        %get3A_660 = arith.index_cast %add3A_659 : i32 to index
        %get3A_661 = arith.constant 0 : index
        %get3A_662 = tpu.vector_load %arg8[%get3A_660, %get3A_661] {strides = array<i32>} : memref<1664x32xf32, #tpu.memory_space<vmem>>, vector<16xf32>,
        %mul3A_663 = arith.mulf %get3A_662, %gather3A : vector<16xf32>
        %swap3A_664 = arith.index_cast %scan3A_312 : i32 to index
        %swap3A_665 = arith.constant 608 : index
        %swap3A_666 = tpu.vector_load %arg9[%swap3A_664, %swap3A_665] {strides = array<i32>} : memref<64x848xf32, #tpu.memory_space<vmem>>, vector<16xf32>,
        tpu.vector_store %arg9[%swap3A_664, %swap3A_665], %mul3A_663 {strides = array<i32>} : memref<64x848xf32, #tpu.memory_space<vmem>>, vector<16xf32>,
        %add3A_667 = arith.constant 19 : i32
        %add3A_668 = arith.addi %mul3A_317, %add3A_667 : i32
        %get3A_669 = arith.index_cast %add3A_668 : i32 to index
        %get3A_670 = arith.constant 16 : index
        %get3A_671 = tpu.vector_load %arg8[%get3A_669, %get3A_670] {strides = array<i32>} : memref<1664x32xf32, #tpu.memory_space<vmem>>, vector<16xf32>,
        %mul3A_672 = arith.mulf %get3A_671, %gather3A : vector<16xf32>
        %swap3A_673 = arith.index_cast %scan3A_312 : i32 to index
        %swap3A_674 = arith.constant 624 : index
        %swap3A_675 = tpu.vector_load %arg9[%swap3A_673, %swap3A_674] {strides = array<i32>} : memref<64x848xf32, #tpu.memory_space<vmem>>, vector<16xf32>,
        tpu.vector_store %arg9[%swap3A_673, %swap3A_674], %mul3A_672 {strides = array<i32>} : memref<64x848xf32, #tpu.memory_space<vmem>>, vector<16xf32>,
        %add3A_676 = arith.constant 20 : i32
        %add3A_677 = arith.addi %mul3A_317, %add3A_676 : i32
        %get3A_678 = arith.index_cast %add3A_677 : i32 to index
        %get3A_679 = arith.constant 0 : index
        %get3A_680 = tpu.vector_load %arg8[%get3A_678, %get3A_679] {strides = array<i32>} : memref<1664x32xf32, #tpu.memory_space<vmem>>, vector<16xf32>,
        %mul3A_681 = arith.mulf %get3A_680, %gather3A : vector<16xf32>
        %swap3A_682 = arith.index_cast %scan3A_312 : i32 to index
        %swap3A_683 = arith.constant 640 : index
        %swap3A_684 = tpu.vector_load %arg9[%swap3A_682, %swap3A_683] {strides = array<i32>} : memref<64x848xf32, #tpu.memory_space<vmem>>, vector<16xf32>,
        tpu.vector_store %arg9[%swap3A_682, %swap3A_683], %mul3A_681 {strides = array<i32>} : memref<64x848xf32, #tpu.memory_space<vmem>>, vector<16xf32>,
        %add3A_685 = arith.constant 20 : i32
        %add3A_686 = arith.addi %mul3A_317, %add3A_685 : i32
        %get3A_687 = arith.index_cast %add3A_686 : i32 to index
        %get3A_688 = arith.constant 16 : index
        %get3A_689 = tpu.vector_load %arg8[%get3A_687, %get3A_688] {strides = array<i32>} : memref<1664x32xf32, #tpu.memory_space<vmem>>, vector<16xf32>,
        %mul3A_690 = arith.mulf %get3A_689, %gather3A : vector<16xf32>
        %swap3A_691 = arith.index_cast %scan3A_312 : i32 to index
        %swap3A_692 = arith.constant 656 : index
        %swap3A_693 = tpu.vector_load %arg9[%swap3A_691, %swap3A_692] {strides = array<i32>} : memref<64x848xf32, #tpu.memory_space<vmem>>, vector<16xf32>,
        tpu.vector_store %arg9[%swap3A_691, %swap3A_692], %mul3A_690 {strides = array<i32>} : memref<64x848xf32, #tpu.memory_space<vmem>>, vector<16xf32>,
        %add3A_694 = arith.constant 21 : i32
        %add3A_695 = arith.addi %mul3A_317, %add3A_694 : i32
        %get3A_696 = arith.index_cast %add3A_695 : i32 to index
        %get3A_697 = arith.constant 0 : index
        %get3A_698 = tpu.vector_load %arg8[%get3A_696, %get3A_697] {strides = array<i32>} : memref<1664x32xf32, #tpu.memory_space<vmem>>, vector<16xf32>,
        %mul3A_699 = arith.mulf %get3A_698, %gather3A : vector<16xf32>
        %swap3A_700 = arith.index_cast %scan3A_312 : i32 to index
        %swap3A_701 = arith.constant 672 : index
        %swap3A_702 = tpu.vector_load %arg9[%swap3A_700, %swap3A_701] {strides = array<i32>} : memref<64x848xf32, #tpu.memory_space<vmem>>, vector<16xf32>,
        tpu.vector_store %arg9[%swap3A_700, %swap3A_701], %mul3A_699 {strides = array<i32>} : memref<64x848xf32, #tpu.memory_space<vmem>>, vector<16xf32>,
        %add3A_703 = arith.constant 21 : i32
        %add3A_704 = arith.addi %mul3A_317, %add3A_703 : i32
        %get3A_705 = arith.index_cast %add3A_704 : i32 to index
        %get3A_706 = arith.constant 16 : index
        %get3A_707 = tpu.vector_load %arg8[%get3A_705, %get3A_706] {strides = array<i32>} : memref<1664x32xf32, #tpu.memory_space<vmem>>, vector<16xf32>,
        %mul3A_708 = arith.mulf %get3A_707, %gather3A : vector<16xf32>
        %swap3A_709 = arith.index_cast %scan3A_312 : i32 to index
        %swap3A_710 = arith.constant 688 : index
        %swap3A_711 = tpu.vector_load %arg9[%swap3A_709, %swap3A_710] {strides = array<i32>} : memref<64x848xf32, #tpu.memory_space<vmem>>, vector<16xf32>,
        tpu.vector_store %arg9[%swap3A_709, %swap3A_710], %mul3A_708 {strides = array<i32>} : memref<64x848xf32, #tpu.memory_space<vmem>>, vector<16xf32>,
        %add3A_712 = arith.constant 22 : i32
        %add3A_713 = arith.addi %mul3A_317, %add3A_712 : i32
        %get3A_714 = arith.index_cast %add3A_713 : i32 to index
        %get3A_715 = arith.constant 0 : index
        %get3A_716 = tpu.vector_load %arg8[%get3A_714, %get3A_715] {strides = array<i32>} : memref<1664x32xf32, #tpu.memory_space<vmem>>, vector<16xf32>,
        %mul3A_717 = arith.mulf %get3A_716, %gather3A : vector<16xf32>
        %swap3A_718 = arith.index_cast %scan3A_312 : i32 to index
        %swap3A_719 = arith.constant 704 : index
        %swap3A_720 = tpu.vector_load %arg9[%swap3A_718, %swap3A_719] {strides = array<i32>} : memref<64x848xf32, #tpu.memory_space<vmem>>, vector<16xf32>,
        tpu.vector_store %arg9[%swap3A_718, %swap3A_719], %mul3A_717 {strides = array<i32>} : memref<64x848xf32, #tpu.memory_space<vmem>>, vector<16xf32>,
        %add3A_721 = arith.constant 22 : i32
        %add3A_722 = arith.addi %mul3A_317, %add3A_721 : i32
        %get3A_723 = arith.index_cast %add3A_722 : i32 to index
        %get3A_724 = arith.constant 16 : index
        %get3A_725 = tpu.vector_load %arg8[%get3A_723, %get3A_724] {strides = array<i32>} : memref<1664x32xf32, #tpu.memory_space<vmem>>, vector<16xf32>,
        %mul3A_726 = arith.mulf %get3A_725, %gather3A : vector<16xf32>
        %swap3A_727 = arith.index_cast %scan3A_312 : i32 to index
        %swap3A_728 = arith.constant 720 : index
        %swap3A_729 = tpu.vector_load %arg9[%swap3A_727, %swap3A_728] {strides = array<i32>} : memref<64x848xf32, #tpu.memory_space<vmem>>, vector<16xf32>,
        tpu.vector_store %arg9[%swap3A_727, %swap3A_728], %mul3A_726 {strides = array<i32>} : memref<64x848xf32, #tpu.memory_space<vmem>>, vector<16xf32>,
        %add3A_730 = arith.constant 23 : i32
        %add3A_731 = arith.addi %mul3A_317, %add3A_730 : i32
        %get3A_732 = arith.index_cast %add3A_731 : i32 to index
        %get3A_733 = arith.constant 0 : index
        %get3A_734 = tpu.vector_load %arg8[%get3A_732, %get3A_733] {strides = array<i32>} : memref<1664x32xf32, #tpu.memory_space<vmem>>, vector<16xf32>,
        %mul3A_735 = arith.mulf %get3A_734, %gather3A : vector<16xf32>
        %swap3A_736 = arith.index_cast %scan3A_312 : i32 to index
        %swap3A_737 = arith.constant 736 : index
        %swap3A_738 = tpu.vector_load %arg9[%swap3A_736, %swap3A_737] {strides = array<i32>} : memref<64x848xf32, #tpu.memory_space<vmem>>, vector<16xf32>,
        tpu.vector_store %arg9[%swap3A_736, %swap3A_737], %mul3A_735 {strides = array<i32>} : memref<64x848xf32, #tpu.memory_space<vmem>>, vector<16xf32>,
        %add3A_739 = arith.constant 23 : i32
        %add3A_740 = arith.addi %mul3A_317, %add3A_739 : i32
        %get3A_741 = arith.index_cast %add3A_740 : i32 to index
        %get3A_742 = arith.constant 16 : index
        %get3A_743 = tpu.vector_load %arg8[%get3A_741, %get3A_742] {strides = array<i32>} : memref<1664x32xf32, #tpu.memory_space<vmem>>, vector<16xf32>,
        %mul3A_744 = arith.mulf %get3A_743, %gather3A : vector<16xf32>
        %swap3A_745 = arith.index_cast %scan3A_312 : i32 to index
        %swap3A_746 = arith.constant 752 : index
        %swap3A_747 = tpu.vector_load %arg9[%swap3A_745, %swap3A_746] {strides = array<i32>} : memref<64x848xf32, #tpu.memory_space<vmem>>, vector<16xf32>,
        tpu.vector_store %arg9[%swap3A_745, %swap3A_746], %mul3A_744 {strides = array<i32>} : memref<64x848xf32, #tpu.memory_space<vmem>>, vector<16xf32>,
        %add3A_748 = arith.constant 24 : i32
        %add3A_749 = arith.addi %mul3A_317, %add3A_748 : i32
        %get3A_750 = arith.index_cast %add3A_749 : i32 to index
        %get3A_751 = arith.constant 0 : index
        %get3A_752 = tpu.vector_load %arg8[%get3A_750, %get3A_751] {strides = array<i32>} : memref<1664x32xf32, #tpu.memory_space<vmem>>, vector<16xf32>,
        %mul3A_753 = arith.mulf %get3A_752, %gather3A : vector<16xf32>
        %swap3A_754 = arith.index_cast %scan3A_312 : i32 to index
        %swap3A_755 = arith.constant 768 : index
        %swap3A_756 = tpu.vector_load %arg9[%swap3A_754, %swap3A_755] {strides = array<i32>} : memref<64x848xf32, #tpu.memory_space<vmem>>, vector<16xf32>,
        tpu.vector_store %arg9[%swap3A_754, %swap3A_755], %mul3A_753 {strides = array<i32>} : memref<64x848xf32, #tpu.memory_space<vmem>>, vector<16xf32>,
        %add3A_757 = arith.constant 24 : i32
        %add3A_758 = arith.addi %mul3A_317, %add3A_757 : i32
        %get3A_759 = arith.index_cast %add3A_758 : i32 to index
        %get3A_760 = arith.constant 16 : index
        %get3A_761 = tpu.vector_load %arg8[%get3A_759, %get3A_760] {strides = array<i32>} : memref<1664x32xf32, #tpu.memory_space<vmem>>, vector<16xf32>,
        %mul3A_762 = arith.mulf %get3A_761, %gather3A : vector<16xf32>
        %swap3A_763 = arith.index_cast %scan3A_312 : i32 to index
        %swap3A_764 = arith.constant 784 : index
        %swap3A_765 = tpu.vector_load %arg9[%swap3A_763, %swap3A_764] {strides = array<i32>} : memref<64x848xf32, #tpu.memory_space<vmem>>, vector<16xf32>,
        tpu.vector_store %arg9[%swap3A_763, %swap3A_764], %mul3A_762 {strides = array<i32>} : memref<64x848xf32, #tpu.memory_space<vmem>>, vector<16xf32>,
        %add3A_766 = arith.constant 25 : i32
        %add3A_767 = arith.addi %mul3A_317, %add3A_766 : i32
        %get3A_768 = arith.index_cast %add3A_767 : i32 to index
        %get3A_769 = arith.constant 0 : index
        %get3A_770 = tpu.vector_load %arg8[%get3A_768, %get3A_769] {strides = array<i32>} : memref<1664x32xf32, #tpu.memory_space<vmem>>, vector<16xf32>,
        %mul3A_771 = arith.mulf %get3A_770, %gather3A : vector<16xf32>
        %swap3A_772 = arith.index_cast %scan3A_312 : i32 to index
        %swap3A_773 = arith.constant 800 : index
        %swap3A_774 = tpu.vector_load %arg9[%swap3A_772, %swap3A_773] {strides = array<i32>} : memref<64x848xf32, #tpu.memory_space<vmem>>, vector<16xf32>,
        tpu.vector_store %arg9[%swap3A_772, %swap3A_773], %mul3A_771 {strides = array<i32>} : memref<64x848xf32, #tpu.memory_space<vmem>>, vector<16xf32>,
        %add3A_775 = arith.constant 25 : i32
        %add3A_776 = arith.addi %mul3A_317, %add3A_775 : i32
        %get3A_777 = arith.index_cast %add3A_776 : i32 to index
        %get3A_778 = arith.constant 16 : index
        %get3A_779 = tpu.vector_load %arg8[%get3A_777, %get3A_778] {strides = array<i32>} : memref<1664x32xf32, #tpu.memory_space<vmem>>, vector<16xf32>,
        %mul3A_780 = arith.mulf %get3A_779, %gather3A : vector<16xf32>
        %swap3A_781 = arith.index_cast %scan3A_312 : i32 to index
        %swap3A_782 = arith.constant 816 : index
        %swap3A_783 = tpu.vector_load %arg9[%swap3A_781, %swap3A_782] {strides = array<i32>} : memref<64x848xf32, #tpu.memory_space<vmem>>, vector<16xf32>,
        tpu.vector_store %arg9[%swap3A_781, %swap3A_782], %mul3A_780 {strides = array<i32>} : memref<64x848xf32, #tpu.memory_space<vmem>>, vector<16xf32>,
        %mul3A_784 = arith.constant 64 : i32
        %mul3A_785 = arith.muli %scan3A_10, %mul3A_784 : i32
        %add3A_786 = arith.addi %mul3A_785, %scan3A_312 : i32
        %get3A_787 = arith.index_cast %add3A_786 : i32 to index
        %get3A_788 = arith.constant 0 : index
        %get3A_789 = tpu.vector_load %arg10[%get3A_787, %get3A_788] {strides = array<i32>} : memref<512x16xf32, #tpu.memory_space<vmem>>, vector<16xf32>,
        %swap3A_790 = arith.index_cast %scan3A_312 : i32 to index
        %swap3A_791 = arith.constant 832 : index
        %swap3A_792 = tpu.vector_load %arg9[%swap3A_790, %swap3A_791] {strides = array<i32>} : memref<64x848xf32, #tpu.memory_space<vmem>>, vector<16xf32>,
        tpu.vector_store %arg9[%swap3A_790, %swap3A_791], %get3A_789 {strides = array<i32>} : memref<64x848xf32, #tpu.memory_space<vmem>>, vector<16xf32>,
      }
      %scan3A_300 = arith.constant 64 : i32
      %mul3A_301 = arith.constant 64 : i32
      %mul3A_302 = arith.muli %scan3A_10, %mul3A_301 : i32
      %add3A_303 = arith.addi %mul3A_2, %mul3A_302 : i32
      %dma_start3A_304 = arith.constant 0 : i32
      %dma_start3A_305 = tpu.memref_slice %arg6[%add3A_303, %dma_start3A_304] : memref<16384x848xf32, #tpu.memory_space<hbm>> -> memref<64x848xf32, #tpu.memory_space<hbm>>
      %dma_start3A_306 = arith.constant 0 : i32
      %dma_start3A_307 = tpu.memref_slice %arg6[%add3A_303, %dma_start3A_306] : memref<16384x848xf32, #tpu.memory_space<hbm>> -> memref<64x848xf32, #tpu.memory_space<hbm>>
      tpu.enqueue_dma source(%arg9 : memref<64x848xf32, #tpu.memory_space<vmem>>) target(%dma_start3A_307 : memref<64x848xf32, #tpu.memory_space<hbm>>) target_semaphore(%arg13 : memref<!tpu.dma_semaphore, #tpu.memory_space<semaphore_mem>>)
      %dma_wait3A_308 = arith.constant 0 : i32
      %dma_wait3A_309 = tpu.memref_slice %arg6[%add3A_303, %dma_wait3A_308] : memref<16384x848xf32, #tpu.memory_space<hbm>> -> memref<64x848xf32, #tpu.memory_space<hbm>>
      %dma_wait3A_310 = arith.constant 0 : i32
      %dma_wait3A_311 = tpu.memref_slice %arg6[%add3A_303, %dma_wait3A_310] : memref<16384x848xf32, #tpu.memory_space<hbm>> -> memref<64x848xf32, #tpu.memory_space<hbm>>
      tpu.wait_dma2 semaphore(%arg13 : memref<!tpu.dma_semaphore, #tpu.memory_space<semaphore_mem>>) src(%arg9 : memref<64x848xf32, #tpu.memory_space<vmem>>) dst(%dma_wait3A_311 : memref<64x848xf32, #tpu.memory_space<hbm>>)
    }
    %scan3A_9 = arith.constant 8 : i32
    return
  }
}

module attributes {stable_mosaic.version = 14 : i64} {
  func.func @_transpose_body(%arg0: i32, %arg1: i32, %arg2: memref<1x32x8704xf32, #tpu.memory_space<vmem>>, %arg3: memref<1x272x8x128xf32, #tpu.memory_space<vmem>>) attributes {dimension_semantics = [#tpu.dimension_semantics<parallel>, #tpu.dimension_semantics<arbitrary>], iteration_bounds = array<i64: 26, 12>, scalar_prefetch = 0 : i64, scratch_operands = 0 : i64, tpu.core_type = #tpu.core_type<tc>, window_params = [{transform_indices = @transform_0, window_bounds = array<i64: 1, 32, 8704>}, {transform_indices = @transform_1, window_bounds = array<i64: 1, 272, 8, 128>}]} {
    %get3A = arith.constant 0 : index
    %get3A_0 = arith.constant 0 : index
    %get3A_1 = arith.constant 0 : index
    %get3A_2 = vector.load %arg2[%get3A, %get3A_0, %get3A_1] : memref<1x32x8704xf32, #tpu.memory_space<vmem>>, vector<1x32x8704xf32>
    %get3A_3 = vector.shape_cast %get3A_2 : vector<1x32x8704xf32> to vector<32x8704xf32>
    %iota3A = tpu.iota {dimensions = array<i32: 0>} : vector<32x32xi32>
    %iota3A_4 = tpu.iota {dimensions = array<i32: 1>} : vector<32x32xi32>
    %eq3A = arith.cmpi eq, %iota3A, %iota3A_4 : vector<32x32xi32>
    %convert_element_type3A = arith.extui %eq3A : vector<32x32xi1> to vector<32x32xi32>
    %convert_element_type3A_5 = arith.sitofp %convert_element_type3A : vector<32x32xi32> to vector<32x32xf32>
    %dot_general3A = arith.constant dense<0.000000e+00> : vector<8704x32xf32>
    %dot_general3A_6 = tpu.matmul %get3A_3, %convert_element_type3A_5, %dot_general3A {dimension_numbers = #tpu.dot_dimension_numbers<[0], [0], [1], [1], [0, 1, 1, 1], [], []>, transpose_lhs_hint = false} : vector<32x8704xf32>, vector<32x32xf32>, vector<8704x32xf32> -> vector<8704x32xf32>
    %reshape3A = vector.shape_cast %dot_general3A_6 : vector<8704x32xf32> to vector<272x4x8x32xf32>
    %slice3A = vector.extract_strided_slice %reshape3A {offsets = [0, 0, 0, 0], sizes = [272, 1, 8, 32], strides = [1, 1, 1, 1]} : vector<272x4x8x32xf32> to vector<272x1x8x32xf32>
    %squeeze3A = vector.shape_cast %slice3A : vector<272x1x8x32xf32> to vector<272x8x32xf32>
    %slice3A_7 = vector.extract_strided_slice %reshape3A {offsets = [0, 1, 0, 0], sizes = [272, 1, 8, 32], strides = [1, 1, 1, 1]} : vector<272x4x8x32xf32> to vector<272x1x8x32xf32>
    %squeeze3A_8 = vector.shape_cast %slice3A_7 : vector<272x1x8x32xf32> to vector<272x8x32xf32>
    %slice3A_9 = vector.extract_strided_slice %reshape3A {offsets = [0, 2, 0, 0], sizes = [272, 1, 8, 32], strides = [1, 1, 1, 1]} : vector<272x4x8x32xf32> to vector<272x1x8x32xf32>
    %squeeze3A_10 = vector.shape_cast %slice3A_9 : vector<272x1x8x32xf32> to vector<272x8x32xf32>
    %slice3A_11 = vector.extract_strided_slice %reshape3A {offsets = [0, 3, 0, 0], sizes = [272, 1, 8, 32], strides = [1, 1, 1, 1]} : vector<272x4x8x32xf32> to vector<272x1x8x32xf32>
    %squeeze3A_12 = vector.shape_cast %slice3A_11 : vector<272x1x8x32xf32> to vector<272x8x32xf32>
    %concatenate3A = tpu.concatenate %squeeze3A, %squeeze3A_8, %squeeze3A_10, %squeeze3A_12 in 2 : vector<272x8x32xf32>, vector<272x8x32xf32>, vector<272x8x32xf32>, vector<272x8x32xf32> -> vector<272x8x128xf32>
    %swap3A = arith.constant 0 : index
    %swap3A_13 = arith.constant 0 : index
    %swap3A_14 = arith.constant 0 : index
    %swap3A_15 = arith.constant 0 : index
    %swap3A_16 = vector.load %arg3[%swap3A, %swap3A_13, %swap3A_14, %swap3A_15] : memref<1x272x8x128xf32, #tpu.memory_space<vmem>>, vector<1x272x8x128xf32>
    %swap3A_17 = vector.shape_cast %swap3A_16 : vector<1x272x8x128xf32> to vector<272x8x128xf32>
    %swap3A_18 = vector.shape_cast %concatenate3A : vector<272x8x128xf32> to vector<1x272x8x128xf32>
    tpu.vector_store %arg3[%swap3A, %swap3A_13, %swap3A_14, %swap3A_15], %swap3A_18 {strides = array<i32>} : memref<1x272x8x128xf32, #tpu.memory_space<vmem>>, vector<1x272x8x128xf32>,
    return
  }
  func.func @transform_0(%arg0: i32, %arg1: i32) -> (i32, i32, i32) {
    %c0_i32 = arith.constant 0 : i32
    %c0_i32_0 = arith.constant 0 : i32
    return %arg0, %c0_i32, %arg1 : i32, i32, i32
  }
  func.func @transform_1(%arg0: i32, %arg1: i32) -> (i32, i32, i32, i32) {
    %c0_i32 = arith.constant 0 : i32
    %c0_i32_0 = arith.constant 0 : i32
    %c0_i32_1 = arith.constant 0 : i32
    return %arg0, %arg1, %c0_i32, %c0_i32_0 : i32, i32, i32, i32
  }
}

</mosaic_0001>

<sc_bundles>
// kernel: kernel.4.cloned.1.call-start
scs
__scs_entry_jumppad:
0x0: {  	(pc) =	sbr.rel $0x88, $3  }
0x1: {  	(tag) =	ssettag $0x0;
	lr =	simm.s32 $0x1  }
0x2: {  	[smem:$0x3F9D] =	sst lr;
	_ =	strace $0xD0000000  }
0x3: {  	_ = 	snop  }
0x4: {  	_ = 	snop  }
0x5: {  	_ = 	snop  }
0x6: {  	_ = 	snop  }
0x7: {  	_ = 	snop  }
__scs_overlays_trampoline_lowered:
0x8: {  	[smem:$0x3FAC] =	sst s0  }
0x9: {  	[smem:$0x3FAD] =	sst s1  }
0xa: {  	[smem:$0x3FAE] =	sst s2  }
0xb: {  	[smem:$0x3FAF] =	sst s3  }
0xc: {  	[smem:$0x3FB0] =	sst s4  }
0xd: {  	[smem:$0x3FB1] =	sst s5  }
0xe: {  	[smem:$0x3FB2] =	sst s6  }
0xf: {  	[smem:$0x3FB3] =	sst s7  }
0x10: {  	[smem:$0x3FB4] =	sst s8  }
0x11: {  	[smem:$0x3FB5] =	sst s9;
	s0 =	simm.s32 @!p0 $0x0  }
0x12: {  	s1 =	sld [smem:$0x3F9B];
	s0 =	simm.s32 @p0 $0x1  }
0x13: {  	[smem:$0x3FB6] =	sst s0;
	s0 =	simm.s32 @!p1 $0x0  }
0x14: {  	s2 =	sld [smem:$0x3F9A];
	s0 =	simm.s32 @p1 $0x1  }
0x15: {  	[smem:$0x3FB7] =	sst s0;
	s0 =	simm.s32 @!p2 $0x0  }
0x16: {  	s3 =	sld [smem:$0x3FDB];
	s0 =	simm.s32 @p2 $0x1  }
0x17: {  	s4 =	simm.s32 $0x1BF5;
	[smem:$0x3FB9] =	sst s0  }
0x18: {  	s0 =	sld [smem:$0x3F9C];
	_ =	swait.ge [sflag:s4], $0x0  }
0x19: {  	s7 =	sld [smem:$0x3F9D]  }
0x1a: {  	s8 =	sadd.s32 $0xFFFFE003, lr  }
0x1b: {  	s9 =	sadd.s32 $0xFFFFFEF7, lr;
	s5 =	simm.s32 $0xFFFFFFFF;
	p2 =	slt.u32 s8, $0xFFFFF086  }
0x1c: {  	p1 =	slt.u32 s9, $0xF7A;
	s5 =	simm.s32 @!p2 $0x0  }
0x1d: {  	s5 =	simm.s32 @p1 $0x1;
	p0 =	seq.s32 s7, s2  }
0x1e: {  	s7 =	smul.u32 @!p0 $0xF7A, s2;
	p2 =	seq.s32 @!p0 s5, $0x0  }
0x1f: {  	s9 =	smul.u32 $0xF7A, s1;
	s8 =	simm.s32 @!p0 $0x1BF5;
	p2 =	por !p2, p0  }
0x20: {  	[sflag:s8] =	ssyncset.s32 @!p0 $0xFFFFF086;
	s6 =	sadd.s32 @!p0 s3, s7;
	s7 =	simm.s32 @!p0 $0x108  }
0x21: {  	s3 =	sadd.s32 s3, s9;
	s6 =	sadd.s32 @!p0 $0x88, s6;
	s7 =	simm.s32 @p2 $0x1082  }
0x22: {  	[simem:s7], [sflag:s8] =	dma.local @!p0 [hbm:s6], $0xF7A  }
0x23: {  	s9 =	sor.u32 $0xD0000000, s2;
	s6 =	simm.s32 $0x108;
	_ =	swait.ge @!p0 [sflag:s8], $0x0  }
0x24: {  	s3 =	sadd.s32 $0x88, s3;
	s6 =	simm.s32 @!p1 $0x1082;
	[sflag:s4] =	ssyncset.s32 $0xFFFFF086  }
0x25: {  	[simem:s6], [sflag:s4] =	dma.local [hbm:s3], $0xF7A  }
0x26: {  	[smem:$0x3F9D] =	sst s1;
	(tag) =	ssettag s2;
	_ =	strace s9  }
0x27: {  	s1 =	sld [smem:$0x3FAD]  }
0x28: {  	s2 =	sld [smem:$0x3FAE]  }
0x29: {  	s4 =	sld [smem:$0x3FB0]  }
0x2a: {  	p0 =	seq.s32 s5, $0x0;
	s5 =	sld [smem:$0x3FB1]  }
0x2b: {  	s6 =	sld [smem:$0x3FB2]  }
0x2c: {  	s7 =	sld [smem:$0x3FB3]  }
0x2d: {  	s3 =	simm.s32 $0x108;
	s8 =	sld [smem:$0x3FB4]  }
0x2e: {  	s3 =	simm.s32 @!p0 $0x1082;
	s9 =	sld [smem:$0x3FB5]  }
0x2f: {  	lr =	sadd.s32 s0, s3;
	s0 =	sld [smem:$0x3FAC]  }
0x30: {  	s3 =	sld [smem:$0x3FAF]  }
0x31: {  	[smem:$0x3FB8] =	sst s10  }
0x32: {  	s10 =	sld [smem:$0x3FB6];
	_ =	sdelay $0x3  }
0x33: {  	p0 =	seq.s32 s10, $0x1;
	s10 =	sld [smem:$0x3FB8];
	_ =	sdelay $0x3  }
0x34: {  	[smem:$0x3FB8] =	sst s10  }
0x35: {  	s10 =	sld [smem:$0x3FB7];
	_ =	sdelay $0x3  }
0x36: {  	p1 =	seq.s32 s10, $0x1;
	s10 =	sld [smem:$0x3FB8];
	_ =	sdelay $0x3  }
0x37: {  	[smem:$0x3FB8] =	sst s10  }
0x38: {  	s10 =	sld [smem:$0x3FB9]  }
0x39: {  	_ = 	snop;
	(pc) =	sbr.ind lr, $3  }
0x3a: {  	_ = 	snop  }
0x3b: {  	_ = 	snop  }
0x3c: {  	p2 =	seq.s32 s10, $0x1;
	s10 =	sld [smem:$0x3FB8]  }
0x3d: {  	_ =	shalt  }
0x3e: {  	_ =	shalt  }
0x3f: {  	_ =	shalt  }
0x40: {  	_ =	shalt  }
0x41: {  	_ =	shalt  }
0x42: {  	_ =	shalt  }
0x43: {  	_ =	shalt  }
0x44: {  	_ =	shalt  }
0x45: {  	_ =	shalt  }
0x46: {  	_ =	shalt  }
0x47: {  	_ =	shalt  }
0x48: {  	_ =	shalt  }
0x49: {  	_ =	shalt  }
0x4a: {  	_ =	shalt  }
0x4b: {  	_ =	shalt  }
0x4c: {  	_ =	shalt  }
0x4d: {  	_ =	shalt  }
0x4e: {  	_ =	shalt  }
0x4f: {  	_ =	shalt  }
0x50: {  	_ =	shalt  }
0x51: {  	_ =	shalt  }
0x52: {  	_ =	shalt  }
0x53: {  	_ =	shalt  }
0x54: {  	_ =	shalt  }
0x55: {  	_ =	shalt  }
0x56: {  	_ =	shalt  }
0x57: {  	_ =	shalt  }
0x58: {  	_ =	shalt  }
0x59: {  	_ =	shalt  }
0x5a: {  	_ =	shalt  }
0x5b: {  	_ =	shalt  }
0x5c: {  	_ =	shalt  }
0x5d: {  	_ =	shalt  }
0x5e: {  	_ =	shalt  }
0x5f: {  	_ =	shalt  }
0x60: {  	_ =	shalt  }
0x61: {  	_ =	shalt  }
0x62: {  	_ =	shalt  }
0x63: {  	_ =	shalt  }
0x64: {  	_ =	shalt  }
0x65: {  	_ =	shalt  }
0x66: {  	_ =	shalt  }
0x67: {  	_ =	shalt  }
0x68: {  	_ =	shalt  }
0x69: {  	_ =	shalt  }
0x6a: {  	_ =	shalt  }
0x6b: {  	_ =	shalt  }
0x6c: {  	_ =	shalt  }
0x6d: {  	_ =	shalt  }
0x6e: {  	_ =	shalt  }
0x6f: {  	_ =	shalt  }
0x70: {  	_ =	shalt  }
0x71: {  	_ =	shalt  }
0x72: {  	_ =	shalt  }
0x73: {  	_ =	shalt  }
0x74: {  	_ =	shalt  }
0x75: {  	_ =	shalt  }
0x76: {  	_ =	shalt  }
0x77: {  	_ =	shalt  }
0x78: {  	_ =	shalt  }
0x79: {  	_ =	shalt  }
0x7a: {  	_ =	shalt  }
0x7b: {  	_ =	shalt  }
0x7c: {  	_ =	shalt  }
0x7d: {  	_ =	shalt  }
0x7e: {  	_ =	shalt  }
0x7f: {  	_ =	shalt  }
0x80: {  	_ =	shalt  }
0x81: {  	_ =	shalt  }
0x82: {  	_ =	shalt  }
0x83: {  	_ =	shalt  }
0x84: {  	_ =	shalt  }
0x85: {  	_ =	shalt  }
0x86: {  	_ =	shalt  }
0x87: {  	_ =	shalt  }
.Lfunc_end0:
.L_simem_size_0:
called_computation.1_lowered:
.L_overlay_start_0:
0x88: {  	s2 =	sld [smem:$0x3FD9]  }
0x89: {  	s3 =	sld [smem:$0x3FFE];
	_ =	sdelay $0x1  }
0x8a: {  	s1 =	srdreg.scid  }
0x8b: {  	s0 =	sand.u32 $0x1, s1  }
0x8c: {  	s17 =	sshll.u32 s0, $0xA;
	s2 =	sadd.s32 s3, s2  }
0x8d: {  	s2 =	sadd.s32 s2, s17  }
0x8e: {  	[smem:$0x3FC4] =	sst s2  }
0x8f: {  	_ = 	snop  }
0x90: {  	s2 =	sld [smem:$0x3FD0];
	(tm) =	ssettm $0x1  }
0x91: {  	s18 =	sld [smem:$0x3FFB];
	_ =	sdelay $0x3  }
0x92: {  	_ =	strace s18  }
0x93: {  	s3 =	sld [smem:$0x3FFC];
	_ =	sdelay $0x3  }
0x94: {  	_ =	strace s3  }
0x95: {  	s3 =	sld [smem:$0x3FFD];
	_ =	sdelay $0x3  }
0x96: {  	_ =	strace s3  }
0x97: {  	_ =	strace $0x8FFFFFFF  }
0x98: {  	s19 =	sld [smem:$0x3FDB];
	_ =	sdelay $0x1  }
0x99: {  	s4 =	simm.s32 $_scs_section_size  }
0x9a: {  	s5 =	simm.s32 $_size__tile_overlayer_lowered;
	s6 =	simm.s32 $_tile_overlayer_lowered  }
0x9b: {  	s22 =	simm.s32 $0x1BFF;
	s21 =	sshll.u32 s6, $0x1;
	s3 =	sadd.s32 s4, s19  }
0x9c: {  	s7 =	simm.s32 $0x0;
	s20 =	sshll.u32 s5, $0x1;
	s5 =	sadd.s32 s21, s3  }
0x9d: {  	[timem:s7], [sflag:s22] =	dma.local [hbm:s5], s20  }
0x9e: {  	_ =	swait.ge [sflag:s22], s20  }
0x9f: {  	s4 =	ssub.s32 $0x0, s20;
	[sflag:s22] =	ssyncset.done $0x0  }
0xa0: {  	[sflag:s22] =	ssyncadd.s32 s4;
	_ =	sdelay $0x1  }
0xa1: {  	s23 =	simm.s32 $0x1B8B  }
0xa2: {  	_ =	swait.ge [sflag:s23], $0x1  }
0xa3: {  	[sflag:s23] =	ssyncset.done $0x0  }
0xa4: {  	s25 =	simm.s32 $0x1B8E;
	s24 =	sld [smem:$0x3FFE];
	[sflag:s23] =	ssyncadd.s32 $0xFFFFFFFF  }
0xa5: {  	s26 =	simm.s32 $execute0_lowered;
	[smem:$0x3FD2] =	sst s25  }
0xa6: {  	s5 =	sshll.u32 s26, $0x1;
	_ =	strace $0x80000046;
	[dreg:$0x1] =	wrdreg $0xFFFFFFFF  }
0xa7: {  	s28 =	simm.s32 $_size_execute0_lowered;
	s3 =	sadd.s32 s3, s5;
	[dreg:$0x0] =	wrdreg $0x0  }
0xa8: {  	s5 =	sshll.u32 s28, $0x1;
	[dreg:$0x2] =	wrdreg s3  }
0xa9: {  	[dreg:$0x3] =	wrdreg s5  }
0xaa: {  	[dreg:$0x4] =	wrdreg $0xC0  }
0xab: {  	_ =	task [dreg:s7], $0x5FFFF  }
0xac: {  	[dreg:$0x1] =	wrdreg $0xFFFFFFFF  }
0xad: {  	[dreg:$0x0] =	wrdreg $0x60  }
0xae: {  	[dreg:$0x2] =	wrdreg s24  }
0xaf: {  	[dreg:$0x3] =	wrdreg s2  }
0xb0: {  	[dreg:$0x4] =	wrdreg $0x9  }
0xb1: {  	_ =	task.clear_ibuf [dreg:s7], $0x5FFFF;
	_ =	strace $0x90000046  }
0xb2: {  	s29 =	simm.s32 $0x9;
	_ =	strace $0x80000048  }
0xb3: {  	_ =	swait.ge [sflag:s29], $0x1  }
0xb4: {  	[sflag:s29] =	ssyncadd.s32 $0xFFFFFFFF  }
0xb5: {  	_ =	strace $0x90000048  }
0xb6: {  	_ =	sfence  }
0xb7: {  	s30 =	sld [smem:$0x0];
	_ =	sdelay $0x2  }
0xb8: {  	s31 =	sshll.u32 s1, $0xD;
	s1 =	sshrl.u32 s1, $0x2  }
0xb9: {  	s3 =	sand.u32 $0x4000, s31;
	s1 =	sadd.s32 s1, s30  }
0xba: {  	s0 =	sor.u32 s3, s0;
	s1 =	sshll.u32 s1, $0x11  }
0xbb: {  	s0 =	sor.u32 s1, s0  }
0xbc: {  	s0 =	sadd.s32 $0x8F2B, s0  }
0xbd: {  	[sflag:s0] =	ssyncadd.remote.s32 $0x1  }
0xbe: {  	_ =	sfence.sel $0xFFFF  }
0xbf: {  	[dreg:$0x0] =	wrdreg $0xFFFFFFFF;
	(pc) =	sbr.abs _section_cstart, $3  }
0xc0: {  	[dreg:$0x1] =	wrdreg $0xFFFFFFFF  }
0xc1: {  	_ =	task.clear_ibuf [dreg:s7], $0x2FFFF;
	_ =	strace $0x9FFFFFFF  }
0xc2: {  	(tm) =	ssettm $0x7FFFFFFF  }
0xc3: {  	_ =	shalt  }
tec
execute0_lowered:
.L_overlay_start_1:
0x0: {  	(tag) =	ssettag $0x1  }
0x1: {  	s0 =	srdreg.scid;
	s2 =	stileid.u32  }
0x2: {  	s1 =	rddreg [dreg:$0x0];
	s11 =	simm.s32 $0x1F800;
	s12 =	simm.s32 $0x80  }
0x3: {  	s13 =	simm.s32 $0x3400;
	s14 =	simm.s32 $0x4400;
	s15 =	simm.s32 $0x5400  }
0x4: {  	s16 =	simm.s32 $0x6400;
	s17 =	simm.s32 $0x7400;
	s18 =	simm.s32 $0x8400  }
0x5: {  	s19 =	simm.s32 $0x9400;
	s20 =	simm.s32 $0xA400;
	s21 =	simm.s32 $0xB400  }
0x6: {  	s22 =	simm.s32 $0xC400;
	s23 =	simm.s32 $0xD400;
	s24 =	simm.s32 $0xE400  }
0x7: {  	s25 =	simm.s32 $0xF400;
	s0 =	sand.u32 $0x1, s0;
	s3 =	sshll.u32 s2, $0x1  }
0x8: {  	s26 =	simm.s32 $0x1;
	s28 =	simm.s32 $0x10400;
	s5 =	sor.u32 s0, s3  }
0x9: {  	s3 =	simm.s32 $0x0;
	s0 =	ssub.s32 $0x2, s0;
	s4 =	smul.u32 $0x680, s5  }
0xa: {  	[smem:$0x7FF] =	sst s3;
	s7 =	sshll.u32 s5, $0xA;
	s8 =	sshll.u32 s5, $0x6  }
0xb: {  	s9 =	sshrl.u32 s0, $0x1;
	_ =	strace $0x80000047;
	s7 =	sadd.s32 s7, s1  }
0xc: {  	s0 =	ssub.s32 s0, s9;
	s6 =	sadd.s32 s4, s1;
	s31 =	sadd.s32 $0xE200, s7  }
0xd: {  	s4 =	sadd.s32 $0x16200, s1;
	s0 =	smax.u32 s0, $0x1;
	[dreg:$0x4] =	wrdreg s31  }
0xe: {  	s1 =	sadd.s32 s8, s1;
	s30 =	sadd.s32 $0x1200, s6;
	[dreg:$0x6] =	wrdreg s0  }
0xf: {  	s29 =	simm.s32 $0x2;
	s1 =	sadd.s32 $0xA00, s1;
	[dreg:$0x3] =	wrdreg s30  }
0x10: {  	s5 =	sshll.u32 s5, $0x9;
	[dreg:$0x5] =	wrdreg s1;
	s1 =	simm.s32 $0x0  }
.LBB2_1:
0x11: {  	[dreg:$0x7] =	wrdreg s1  }
0x12: {  	s0 =	rddreg [dreg:$0x3];
	s9 =	simm.s32 $0x3  }
0x13: {  	[tilespmem:s3], [sflag:$0x3] =	stream.linear.gather [hbm4b:s0+s3], $0x3400, $0x38;
	[tilespmem:$0x1FA00] =	vst v63  }
0x14: {  	_ =	swait.ge [sflag:s9], $0x3400  }
0x15: {  	[sflag:s9] =	ssyncset.done $0x0  }
0x16: {  	s31 =	simm.s32 $0x1D800;
	s10 =	rddreg [dreg:$0x4];
	[sflag:s9] =	ssyncadd.s32 $0xFFFFCC00  }
0x17: {  	[tilespmem:s31], [sflag:$0x3] =	stream.linear.gather [hbm4b:s10+s3], $0x2000, $0x38;
	[tilespmem:$0x1FA00] =	vst v63  }
0x18: {  	_ =	swait.ge [sflag:s9], $0x2000  }
0x19: {  	[sflag:s9] =	ssyncset.done $0x0  }
0x1a: {  	s30 =	rddreg [dreg:$0x5];
	[sflag:s9] =	ssyncadd.s32 $0xFFFFE000  }
0x1b: {  	[tilespmem:s11], [sflag:$0x3] =	stream.linear.gather [hbm4b:s30+s3], $0x200, $0x38;
	[tilespmem:$0x1FA00] =	vst v63  }
0x1c: {  	_ =	swait.ge [sflag:s9], $0x200  }
0x1d: {  	[sflag:s9] =	ssyncset.done $0x0  }
0x1e: {  	s1 =	simm.s32 $0x0;
	s0 =	simm.s32 $0x0;
	[sflag:s9] =	ssyncadd.s32 $0xFFFFFE00  }
.LBB2_2:
0x1f: {  	s6 =	smul.u32 $0x1A00, s0;
	_ =	sdelay $0x1  }
0x20: {  	s6 =	sshra.s32 s6, $0x2  }
0x21: {  	[tilespmem:s13], [sflag:$0x1] =	stream.indirect.gather [hbm4b:s4+s12], $0x20, s6, s12, $0xb8;
	[tilespmem:$0x1FA00] =	vst v63  }
0x22: {  	s7 =	sadd.s32 $0x80, s6  }
0x23: {  	[tilespmem:s14], [sflag:$0x1] =	stream.indirect.gather [hbm4b:s4+s12], $0x20, s7, s12, $0xb8;
	[tilespmem:$0x1FA00] =	vst v63  }
0x24: {  	s9 =	sadd.s32 $0x100, s6  }
0x25: {  	[tilespmem:s15], [sflag:$0x1] =	stream.indirect.gather [hbm4b:s4+s12], $0x20, s9, s12, $0xb8;
	[tilespmem:$0x1FA00] =	vst v63  }
0x26: {  	s10 =	sadd.s32 $0x180, s6  }
0x27: {  	[tilespmem:s16], [sflag:$0x1] =	stream.indirect.gather [hbm4b:s4+s12], $0x20, s10, s12, $0xb8;
	[tilespmem:$0x1FA00] =	vst v63  }
0x28: {  	s2 =	sadd.s32 $0x200, s6  }
0x29: {  	[tilespmem:s17], [sflag:$0x1] =	stream.indirect.gather [hbm4b:s4+s12], $0x20, s2, s12, $0xb8;
	[tilespmem:$0x1FA00] =	vst v63  }
0x2a: {  	s8 =	sadd.s32 $0x280, s6  }
0x2b: {  	[tilespmem:s18], [sflag:$0x1] =	stream.indirect.gather [hbm4b:s4+s12], $0x20, s8, s12, $0xb8;
	[tilespmem:$0x1FA00] =	vst v63  }
0x2c: {  	s9 =	sadd.s32 $0x300, s6  }
0x2d: {  	[tilespmem:s19], [sflag:$0x1] =	stream.indirect.gather [hbm4b:s4+s12], $0x20, s9, s12, $0xb8;
	[tilespmem:$0x1FA00] =	vst v63  }
0x2e: {  	s10 =	sadd.s32 $0x380, s6  }
0x2f: {  	[tilespmem:s20], [sflag:$0x1] =	stream.indirect.gather [hbm4b:s4+s12], $0x20, s10, s12, $0xb8;
	[tilespmem:$0x1FA00] =	vst v63  }
0x30: {  	s2 =	sadd.s32 $0x400, s6  }
0x31: {  	[tilespmem:s21], [sflag:$0x1] =	stream.indirect.gather [hbm4b:s4+s12], $0x20, s2, s12, $0xb8;
	[tilespmem:$0x1FA00] =	vst v63  }
0x32: {  	s8 =	sadd.s32 $0x480, s6  }
0x33: {  	[tilespmem:s22], [sflag:$0x1] =	stream.indirect.gather [hbm4b:s4+s12], $0x20, s8, s12, $0xb8;
	[tilespmem:$0x1FA00] =	vst v63  }
0x34: {  	s9 =	sadd.s32 $0x500, s6  }
0x35: {  	[tilespmem:s23], [sflag:$0x1] =	stream.indirect.gather [hbm4b:s4+s12], $0x20, s9, s12, $0xb8;
	[tilespmem:$0x1FA00] =	vst v63  }
0x36: {  	s10 =	sadd.s32 $0x580, s6  }
0x37: {  	[tilespmem:s24], [sflag:$0x1] =	stream.indirect.gather [hbm4b:s4+s12], $0x20, s10, s12, $0xb8;
	[tilespmem:$0x1FA00] =	vst v63  }
0x38: {  	s6 =	sadd.s32 $0x600, s6  }
0x39: {  	[tilespmem:s25], [sflag:$0x1] =	stream.indirect.gather [hbm4b:s4+s12], $0x20, s6, s12, $0xb8;
	[tilespmem:$0x1FA00] =	vst v63  }
0x3a: {  	_ =	swait.ge [sflag:s26], $0x1000  }
0x3b: {  	[sflag:s26] =	ssyncset.done $0x0  }
0x3c: {  	[sflag:s26] =	ssyncadd.s32 $0xFFFFF000  }
0x3d: {  	_ =	swait.ge [sflag:s26], $0x1000  }
0x3e: {  	[sflag:s26] =	ssyncset.done $0x0  }
0x3f: {  	[sflag:s26] =	ssyncadd.s32 $0xFFFFF000  }
0x40: {  	_ =	swait.ge [sflag:s26], $0x1000  }
0x41: {  	[sflag:s26] =	ssyncset.done $0x0  }
0x42: {  	[sflag:s26] =	ssyncadd.s32 $0xFFFFF000  }
0x43: {  	_ =	swait.ge [sflag:s26], $0x1000  }
0x44: {  	[sflag:s26] =	ssyncset.done $0x0  }
0x45: {  	[sflag:s26] =	ssyncadd.s32 $0xFFFFF000  }
0x46: {  	_ =	swait.ge [sflag:s26], $0x1000  }
0x47: {  	[sflag:s26] =	ssyncset.done $0x0  }
0x48: {  	[sflag:s26] =	ssyncadd.s32 $0xFFFFF000  }
0x49: {  	_ =	swait.ge [sflag:s26], $0x1000  }
0x4a: {  	[sflag:s26] =	ssyncset.done $0x0  }
0x4b: {  	[sflag:s26] =	ssyncadd.s32 $0xFFFFF000  }
0x4c: {  	_ =	swait.ge [sflag:s26], $0x1000  }
0x4d: {  	[sflag:s26] =	ssyncset.done $0x0  }
0x4e: {  	[sflag:s26] =	ssyncadd.s32 $0xFFFFF000  }
0x4f: {  	_ =	swait.ge [sflag:s26], $0x1000  }
0x50: {  	[sflag:s26] =	ssyncset.done $0x0  }
0x51: {  	[sflag:s26] =	ssyncadd.s32 $0xFFFFF000  }
0x52: {  	_ =	swait.ge [sflag:s26], $0x1000  }
0x53: {  	[sflag:s26] =	ssyncset.done $0x0  }
0x54: {  	[sflag:s26] =	ssyncadd.s32 $0xFFFFF000  }
0x55: {  	_ =	swait.ge [sflag:s26], $0x1000  }
0x56: {  	[sflag:s26] =	ssyncset.done $0x0  }
0x57: {  	[sflag:s26] =	ssyncadd.s32 $0xFFFFF000  }
0x58: {  	_ =	swait.ge [sflag:s26], $0x1000  }
0x59: {  	[sflag:s26] =	ssyncset.done $0x0  }
0x5a: {  	[sflag:s26] =	ssyncadd.s32 $0xFFFFF000  }
0x5b: {  	_ =	swait.ge [sflag:s26], $0x1000  }
0x5c: {  	v0 =	vmov s1;
	[sflag:s26] =	ssyncset.done $0x0  }
0x5d: {  	[sflag:s26] =	ssyncadd.s32 $0xFFFFF000  }
0x5e: {  	_ =	swait.ge [sflag:s26], $0x1000  }
0x5f: {  	[sflag:s26] =	ssyncset.done $0x0  }
0x60: {  	[sflag:s26] =	ssyncadd.s32 $0xFFFFF000  }
0x61: {  	s6 =	simm.s32 $0x35A0;
	v1 =	vld.idx.msk [tilespmem:v0+s11+$0x0], $0xffff  }
0x62: {  	v0 =	vld [tilespmem:s6+$0xFFFFFE60];
	_ =	sdelay $0x4  }
0x63: {  	v0 =	vmul.f32 v0, v1  }
0x64: {  	s7 =	simm.s32 $0x105A0  }
0x65: {  	[tilespmem:s7+$0xFFFFFE60] =	vst v0  }
0x66: {  	v0 =	vld [tilespmem:s6+$0xFFFFFE70];
	_ =	sdelay $0x4  }
0x67: {  	v0 =	vmul.f32 v0, v1;
	_ =	sdelay $0x1  }
0x68: {  	[tilespmem:s7+$0xFFFFFE70] =	vst v0  }
0x69: {  	v0 =	vld [tilespmem:s6+$0xFFFFFE80];
	_ =	sdelay $0x4  }
0x6a: {  	v0 =	vmul.f32 v0, v1;
	_ =	sdelay $0x1  }
0x6b: {  	[tilespmem:s7+$0xFFFFFE80] =	vst v0  }
0x6c: {  	v0 =	vld [tilespmem:s6+$0xFFFFFE90];
	_ =	sdelay $0x4  }
0x6d: {  	v0 =	vmul.f32 v0, v1;
	_ =	sdelay $0x1  }
0x6e: {  	[tilespmem:s7+$0xFFFFFE90] =	vst v0  }
0x6f: {  	v0 =	vld [tilespmem:s6+$0xFFFFFEA0];
	_ =	sdelay $0x4  }
0x70: {  	v0 =	vmul.f32 v0, v1;
	_ =	sdelay $0x1  }
0x71: {  	[tilespmem:s7+$0xFFFFFEA0] =	vst v0  }
0x72: {  	v0 =	vld [tilespmem:s6+$0xFFFFFEB0];
	_ =	sdelay $0x4  }
0x73: {  	v0 =	vmul.f32 v0, v1;
	_ =	sdelay $0x1  }
0x74: {  	[tilespmem:s7+$0xFFFFFEB0] =	vst v0  }
0x75: {  	v0 =	vld [tilespmem:s6+$0xFFFFFEC0];
	_ =	sdelay $0x4  }
0x76: {  	v0 =	vmul.f32 v0, v1;
	_ =	sdelay $0x1  }
0x77: {  	[tilespmem:s7+$0xFFFFFEC0] =	vst v0  }
0x78: {  	v0 =	vld [tilespmem:s6+$0xFFFFFED0];
	_ =	sdelay $0x4  }
0x79: {  	v0 =	vmul.f32 v0, v1;
	_ =	sdelay $0x1  }
0x7a: {  	[tilespmem:s7+$0xFFFFFED0] =	vst v0  }
0x7b: {  	v0 =	vld [tilespmem:s6+$0xFFFFFEE0];
	_ =	sdelay $0x4  }
0x7c: {  	v0 =	vmul.f32 v0, v1;
	_ =	sdelay $0x1  }
0x7d: {  	[tilespmem:s7+$0xFFFFFEE0] =	vst v0  }
0x7e: {  	v0 =	vld [tilespmem:s6+$0xFFFFFEF0];
	_ =	sdelay $0x4  }
0x7f: {  	v0 =	vmul.f32 v0, v1;
	_ =	sdelay $0x1  }
0x80: {  	[tilespmem:s7+$0xFFFFFEF0] =	vst v0  }
0x81: {  	v0 =	vld [tilespmem:s6+$0xFFFFFF00];
	_ =	sdelay $0x4  }
0x82: {  	v0 =	vmul.f32 v0, v1;
	_ =	sdelay $0x1  }
0x83: {  	[tilespmem:s7+$0xFFFFFF00] =	vst v0  }
0x84: {  	v0 =	vld [tilespmem:s6+$0xFFFFFF10];
	_ =	sdelay $0x4  }
0x85: {  	v0 =	vmul.f32 v0, v1;
	_ =	sdelay $0x1  }
0x86: {  	[tilespmem:s7+$0xFFFFFF10] =	vst v0  }
0x87: {  	v0 =	vld [tilespmem:s6+$0xFFFFFF20];
	_ =	sdelay $0x4  }
0x88: {  	v0 =	vmul.f32 v0, v1;
	_ =	sdelay $0x1  }
0x89: {  	[tilespmem:s7+$0xFFFFFF20] =	vst v0  }
0x8a: {  	v0 =	vld [tilespmem:s6+$0xFFFFFF30];
	_ =	sdelay $0x4  }
0x8b: {  	v0 =	vmul.f32 v0, v1;
	_ =	sdelay $0x1  }
0x8c: {  	[tilespmem:s7+$0xFFFFFF30] =	vst v0  }
0x8d: {  	v0 =	vld [tilespmem:s6+$0xFFFFFF40];
	_ =	sdelay $0x4  }
0x8e: {  	v0 =	vmul.f32 v0, v1;
	_ =	sdelay $0x1  }
0x8f: {  	[tilespmem:s7+$0xFFFFFF40] =	vst v0  }
0x90: {  	v0 =	vld [tilespmem:s6+$0xFFFFFF50];
	_ =	sdelay $0x4  }
0x91: {  	v0 =	vmul.f32 v0, v1;
	_ =	sdelay $0x1  }
0x92: {  	[tilespmem:s7+$0xFFFFFF50] =	vst v0  }
0x93: {  	v0 =	vld [tilespmem:s6+$0xFFFFFF60];
	_ =	sdelay $0x4  }
0x94: {  	v0 =	vmul.f32 v0, v1;
	_ =	sdelay $0x1  }
0x95: {  	[tilespmem:s7+$0xFFFFFF60] =	vst v0  }
0x96: {  	v0 =	vld [tilespmem:s6+$0xFFFFFF70];
	_ =	sdelay $0x4  }
0x97: {  	v0 =	vmul.f32 v0, v1;
	_ =	sdelay $0x1  }
0x98: {  	[tilespmem:s7+$0xFFFFFF70] =	vst v0  }
0x99: {  	v0 =	vld [tilespmem:s6+$0xFFFFFF80];
	_ =	sdelay $0x4  }
0x9a: {  	v0 =	vmul.f32 v0, v1;
	_ =	sdelay $0x1  }
0x9b: {  	[tilespmem:s7+$0xFFFFFF80] =	vst v0  }
0x9c: {  	v0 =	vld [tilespmem:s6+$0xFFFFFF90];
	_ =	sdelay $0x4  }
0x9d: {  	v0 =	vmul.f32 v0, v1;
	_ =	sdelay $0x1  }
0x9e: {  	[tilespmem:s7+$0xFFFFFF90] =	vst v0  }
0x9f: {  	v0 =	vld [tilespmem:s6+$0xFFFFFFA0];
	_ =	sdelay $0x4  }
0xa0: {  	v0 =	vmul.f32 v0, v1;
	_ =	sdelay $0x1  }
0xa1: {  	[tilespmem:s7+$0xFFFFFFA0] =	vst v0  }
0xa2: {  	v0 =	vld [tilespmem:s6+$0xFFFFFFB0];
	_ =	sdelay $0x4  }
0xa3: {  	v0 =	vmul.f32 v0, v1;
	_ =	sdelay $0x1  }
0xa4: {  	[tilespmem:s7+$0xFFFFFFB0] =	vst v0  }
0xa5: {  	v0 =	vld [tilespmem:s6+$0xFFFFFFC0];
	_ =	sdelay $0x4  }
0xa6: {  	v0 =	vmul.f32 v0, v1;
	_ =	sdelay $0x1  }
0xa7: {  	[tilespmem:s7+$0xFFFFFFC0] =	vst v0  }
0xa8: {  	v0 =	vld [tilespmem:s6+$0xFFFFFFD0];
	_ =	sdelay $0x4  }
0xa9: {  	v0 =	vmul.f32 v0, v1;
	_ =	sdelay $0x1  }
0xaa: {  	[tilespmem:s7+$0xFFFFFFD0] =	vst v0  }
0xab: {  	v0 =	vld [tilespmem:s6+$0xFFFFFFE0];
	_ =	sdelay $0x4  }
0xac: {  	v0 =	vmul.f32 v0, v1;
	_ =	sdelay $0x1  }
0xad: {  	[tilespmem:s7+$0xFFFFFFE0] =	vst v0  }
0xae: {  	v0 =	vld [tilespmem:s6+$0xFFFFFFF0];
	_ =	sdelay $0x4  }
0xaf: {  	v0 =	vmul.f32 v0, v1;
	_ =	sdelay $0x1  }
0xb0: {  	[tilespmem:s7+$0xFFFFFFF0] =	vst v0  }
0xb1: {  	v0 =	vld [tilespmem:s6+$0x0];
	_ =	sdelay $0x4  }
0xb2: {  	v0 =	vmul.f32 v0, v1;
	_ =	sdelay $0x1  }
0xb3: {  	[tilespmem:s7+$0x0] =	vst v0  }
0xb4: {  	v0 =	vld [tilespmem:s6+$0x10];
	_ =	sdelay $0x4  }
0xb5: {  	v0 =	vmul.f32 v0, v1;
	_ =	sdelay $0x1  }
0xb6: {  	[tilespmem:s7+$0x10] =	vst v0  }
0xb7: {  	v0 =	vld [tilespmem:s6+$0x20];
	_ =	sdelay $0x4  }
0xb8: {  	v0 =	vmul.f32 v0, v1;
	_ =	sdelay $0x1  }
0xb9: {  	[tilespmem:s7+$0x20] =	vst v0  }
0xba: {  	v0 =	vld [tilespmem:s6+$0x30];
	_ =	sdelay $0x4  }
0xbb: {  	v0 =	vmul.f32 v0, v1;
	_ =	sdelay $0x1  }
0xbc: {  	[tilespmem:s7+$0x30] =	vst v0  }
0xbd: {  	v0 =	vld [tilespmem:s6+$0x40];
	_ =	sdelay $0x4  }
0xbe: {  	v0 =	vmul.f32 v0, v1;
	_ =	sdelay $0x1  }
0xbf: {  	[tilespmem:s7+$0x40] =	vst v0  }
0xc0: {  	v0 =	vld [tilespmem:s6+$0x50];
	_ =	sdelay $0x4  }
0xc1: {  	v0 =	vmul.f32 v0, v1;
	_ =	sdelay $0x1  }
0xc2: {  	[tilespmem:s7+$0x50] =	vst v0  }
0xc3: {  	v0 =	vld [tilespmem:s6+$0x60];
	_ =	sdelay $0x4  }
0xc4: {  	v0 =	vmul.f32 v0, v1;
	_ =	sdelay $0x1  }
0xc5: {  	[tilespmem:s7+$0x60] =	vst v0  }
0xc6: {  	v0 =	vld [tilespmem:s6+$0x70];
	_ =	sdelay $0x4  }
0xc7: {  	v0 =	vmul.f32 v0, v1;
	_ =	sdelay $0x1  }
0xc8: {  	[tilespmem:s7+$0x70] =	vst v0  }
0xc9: {  	v0 =	vld [tilespmem:s6+$0x80];
	_ =	sdelay $0x4  }
0xca: {  	v0 =	vmul.f32 v0, v1;
	_ =	sdelay $0x1  }
0xcb: {  	[tilespmem:s7+$0x80] =	vst v0  }
0xcc: {  	v0 =	vld [tilespmem:s6+$0x90];
	_ =	sdelay $0x4  }
0xcd: {  	v0 =	vmul.f32 v0, v1;
	_ =	sdelay $0x1  }
0xce: {  	[tilespmem:s7+$0x90] =	vst v0  }
0xcf: {  	v0 =	vld [tilespmem:s6+$0xA0];
	_ =	sdelay $0x4  }
0xd0: {  	v0 =	vmul.f32 v0, v1;
	_ =	sdelay $0x1  }
0xd1: {  	[tilespmem:s7+$0xA0] =	vst v0  }
0xd2: {  	v0 =	vld [tilespmem:s6+$0xB0];
	_ =	sdelay $0x4  }
0xd3: {  	v0 =	vmul.f32 v0, v1;
	_ =	sdelay $0x1  }
0xd4: {  	[tilespmem:s7+$0xB0] =	vst v0  }
0xd5: {  	v0 =	vld [tilespmem:s6+$0xC0];
	_ =	sdelay $0x4  }
0xd6: {  	v0 =	vmul.f32 v0, v1;
	_ =	sdelay $0x1  }
0xd7: {  	[tilespmem:s7+$0xC0] =	vst v0  }
0xd8: {  	v0 =	vld [tilespmem:s6+$0xD0];
	_ =	sdelay $0x4  }
0xd9: {  	v0 =	vmul.f32 v0, v1;
	_ =	sdelay $0x1  }
0xda: {  	[tilespmem:s7+$0xD0] =	vst v0  }
0xdb: {  	v0 =	vld [tilespmem:s6+$0xE0];
	_ =	sdelay $0x4  }
0xdc: {  	v0 =	vmul.f32 v0, v1;
	_ =	sdelay $0x1  }
0xdd: {  	[tilespmem:s7+$0xE0] =	vst v0  }
0xde: {  	v0 =	vld [tilespmem:s6+$0xF0];
	_ =	sdelay $0x4  }
0xdf: {  	v0 =	vmul.f32 v0, v1;
	_ =	sdelay $0x1  }
0xe0: {  	[tilespmem:s7+$0xF0] =	vst v0  }
0xe1: {  	v0 =	vld [tilespmem:s6+$0x100];
	_ =	sdelay $0x4  }
0xe2: {  	v0 =	vmul.f32 v0, v1;
	_ =	sdelay $0x1  }
0xe3: {  	[tilespmem:s7+$0x100] =	vst v0  }
0xe4: {  	v0 =	vld [tilespmem:s6+$0x110];
	_ =	sdelay $0x4  }
0xe5: {  	v0 =	vmul.f32 v0, v1;
	_ =	sdelay $0x1  }
0xe6: {  	[tilespmem:s7+$0x110] =	vst v0  }
0xe7: {  	v0 =	vld [tilespmem:s6+$0x120];
	_ =	sdelay $0x4  }
0xe8: {  	v0 =	vmul.f32 v0, v1;
	_ =	sdelay $0x1  }
0xe9: {  	[tilespmem:s7+$0x120] =	vst v0  }
0xea: {  	v0 =	vld [tilespmem:s6+$0x130];
	_ =	sdelay $0x4  }
0xeb: {  	v0 =	vmul.f32 v0, v1;
	_ =	sdelay $0x1  }
0xec: {  	[tilespmem:s7+$0x130] =	vst v0  }
0xed: {  	v0 =	vld [tilespmem:s6+$0x140];
	_ =	sdelay $0x4  }
0xee: {  	v0 =	vmul.f32 v0, v1;
	_ =	sdelay $0x1  }
0xef: {  	[tilespmem:s7+$0x140] =	vst v0  }
0xf0: {  	v0 =	vld [tilespmem:s6+$0x150];
	_ =	sdelay $0x4  }
0xf1: {  	v0 =	vmul.f32 v0, v1;
	_ =	sdelay $0x1  }
0xf2: {  	[tilespmem:s7+$0x150] =	vst v0  }
0xf3: {  	v0 =	vld [tilespmem:s6+$0x160];
	_ =	sdelay $0x4  }
0xf4: {  	v0 =	vmul.f32 v0, v1;
	_ =	sdelay $0x1  }
0xf5: {  	[tilespmem:s7+$0x160] =	vst v0  }
0xf6: {  	v0 =	vld [tilespmem:s6+$0x170];
	_ =	sdelay $0x4  }
0xf7: {  	v0 =	vmul.f32 v0, v1;
	_ =	sdelay $0x1  }
0xf8: {  	[tilespmem:s7+$0x170] =	vst v0  }
0xf9: {  	v0 =	vld [tilespmem:s6+$0x180];
	_ =	sdelay $0x4  }
0xfa: {  	v0 =	vmul.f32 v0, v1;
	_ =	sdelay $0x1  }
0xfb: {  	[tilespmem:s7+$0x180] =	vst v0  }
0xfc: {  	v2 =	vld [tilespmem:s6+$0x190];
	_ =	sdelay $0x2  }
0xfd: {  	v0 =	vmov s31;
	_ =	sdelay $0x1  }
0xfe: {  	v1 =	vmul.f32 v2, v1;
	_ =	sdelay $0x1  }
0xff: {  	s30 =	simm.s32 $0x0;
	[tilespmem:s7+$0x190] =	vst v1  }
0x100: {  	s10 =	sadd.s32 $0x1, s1;
	v1 =	vld.idx.msk [tilespmem:v0+s30+$0x0 ss:$0x1], $0xffff  }
0x101: {  	s8 =	sshll.u32 s0, $0x6;
	s9 =	simm.s32 $0x40;
	v2 =	vmov s10;
	s30 =	simm.s32 $0x80  }
.LBB2_3:
0x102: {  	p0 =	sne.s32 s30, $0xFC0;
	_ =	sdelay $0x2  }
0x103: {  	[tilespmem:s7+$0x1A0] =	vst v1  }
0x104: {  	s6 =	sadd.s32 $0x340, s6;
	v1 =	vld.idx.msk [tilespmem:v2+s11+$0x0], $0xffff  }
0x105: {  	v2 =	vld [tilespmem:s6+$0xFFFFFE60];
	_ =	sdelay $0x4  }
0x106: {  	v2 =	vmul.f32 v2, v1  }
0x107: {  	s7 =	sadd.s32 $0x350, s7  }
0x108: {  	[tilespmem:s7+$0xFFFFFE60] =	vst v2  }
0x109: {  	v2 =	vld [tilespmem:s6+$0xFFFFFE70];
	_ =	sdelay $0x4  }
0x10a: {  	v2 =	vmul.f32 v2, v1;
	_ =	sdelay $0x1  }
0x10b: {  	[tilespmem:s7+$0xFFFFFE70] =	vst v2  }
0x10c: {  	v2 =	vld [tilespmem:s6+$0xFFFFFE80];
	_ =	sdelay $0x4  }
0x10d: {  	v2 =	vmul.f32 v2, v1;
	_ =	sdelay $0x1  }
0x10e: {  	[tilespmem:s7+$0xFFFFFE80] =	vst v2  }
0x10f: {  	v2 =	vld [tilespmem:s6+$0xFFFFFE90];
	_ =	sdelay $0x4  }
0x110: {  	v2 =	vmul.f32 v2, v1;
	_ =	sdelay $0x1  }
0x111: {  	[tilespmem:s7+$0xFFFFFE90] =	vst v2  }
0x112: {  	v2 =	vld [tilespmem:s6+$0xFFFFFEA0];
	_ =	sdelay $0x4  }
0x113: {  	v2 =	vmul.f32 v2, v1;
	_ =	sdelay $0x1  }
0x114: {  	[tilespmem:s7+$0xFFFFFEA0] =	vst v2  }
0x115: {  	v2 =	vld [tilespmem:s6+$0xFFFFFEB0];
	_ =	sdelay $0x4  }
0x116: {  	v2 =	vmul.f32 v2, v1;
	_ =	sdelay $0x1  }
0x117: {  	[tilespmem:s7+$0xFFFFFEB0] =	vst v2  }
0x118: {  	v2 =	vld [tilespmem:s6+$0xFFFFFEC0];
	_ =	sdelay $0x4  }
0x119: {  	v2 =	vmul.f32 v2, v1;
	_ =	sdelay $0x1  }
0x11a: {  	[tilespmem:s7+$0xFFFFFEC0] =	vst v2  }
0x11b: {  	v2 =	vld [tilespmem:s6+$0xFFFFFED0];
	_ =	sdelay $0x4  }
0x11c: {  	v2 =	vmul.f32 v2, v1;
	_ =	sdelay $0x1  }
0x11d: {  	[tilespmem:s7+$0xFFFFFED0] =	vst v2  }
0x11e: {  	v2 =	vld [tilespmem:s6+$0xFFFFFEE0];
	_ =	sdelay $0x4  }
0x11f: {  	v2 =	vmul.f32 v2, v1;
	_ =	sdelay $0x1  }
0x120: {  	[tilespmem:s7+$0xFFFFFEE0] =	vst v2  }
0x121: {  	v2 =	vld [tilespmem:s6+$0xFFFFFEF0];
	_ =	sdelay $0x4  }
0x122: {  	v2 =	vmul.f32 v2, v1;
	_ =	sdelay $0x1  }
0x123: {  	[tilespmem:s7+$0xFFFFFEF0] =	vst v2  }
0x124: {  	v2 =	vld [tilespmem:s6+$0xFFFFFF00];
	_ =	sdelay $0x4  }
0x125: {  	v2 =	vmul.f32 v2, v1;
	_ =	sdelay $0x1  }
0x126: {  	[tilespmem:s7+$0xFFFFFF00] =	vst v2  }
0x127: {  	v2 =	vld [tilespmem:s6+$0xFFFFFF10];
	_ =	sdelay $0x4  }
0x128: {  	v2 =	vmul.f32 v2, v1;
	_ =	sdelay $0x1  }
0x129: {  	[tilespmem:s7+$0xFFFFFF10] =	vst v2  }
0x12a: {  	v2 =	vld [tilespmem:s6+$0xFFFFFF20];
	_ =	sdelay $0x4  }
0x12b: {  	v2 =	vmul.f32 v2, v1;
	_ =	sdelay $0x1  }
0x12c: {  	[tilespmem:s7+$0xFFFFFF20] =	vst v2  }
0x12d: {  	v2 =	vld [tilespmem:s6+$0xFFFFFF30];
	_ =	sdelay $0x4  }
0x12e: {  	v2 =	vmul.f32 v2, v1;
	_ =	sdelay $0x1  }
0x12f: {  	[tilespmem:s7+$0xFFFFFF30] =	vst v2  }
0x130: {  	v2 =	vld [tilespmem:s6+$0xFFFFFF40];
	_ =	sdelay $0x4  }
0x131: {  	v2 =	vmul.f32 v2, v1;
	_ =	sdelay $0x1  }
0x132: {  	[tilespmem:s7+$0xFFFFFF40] =	vst v2  }
0x133: {  	v2 =	vld [tilespmem:s6+$0xFFFFFF50];
	_ =	sdelay $0x4  }
0x134: {  	v2 =	vmul.f32 v2, v1;
	_ =	sdelay $0x1  }
0x135: {  	[tilespmem:s7+$0xFFFFFF50] =	vst v2  }
0x136: {  	v2 =	vld [tilespmem:s6+$0xFFFFFF60];
	_ =	sdelay $0x4  }
0x137: {  	v2 =	vmul.f32 v2, v1;
	_ =	sdelay $0x1  }
0x138: {  	[tilespmem:s7+$0xFFFFFF60] =	vst v2  }
0x139: {  	v2 =	vld [tilespmem:s6+$0xFFFFFF70];
	_ =	sdelay $0x4  }
0x13a: {  	v2 =	vmul.f32 v2, v1;
	_ =	sdelay $0x1  }
0x13b: {  	[tilespmem:s7+$0xFFFFFF70] =	vst v2  }
0x13c: {  	v2 =	vld [tilespmem:s6+$0xFFFFFF80];
	_ =	sdelay $0x4  }
0x13d: {  	v2 =	vmul.f32 v2, v1;
	_ =	sdelay $0x1  }
0x13e: {  	[tilespmem:s7+$0xFFFFFF80] =	vst v2  }
0x13f: {  	v2 =	vld [tilespmem:s6+$0xFFFFFF90];
	_ =	sdelay $0x4  }
0x140: {  	v2 =	vmul.f32 v2, v1;
	_ =	sdelay $0x1  }
0x141: {  	[tilespmem:s7+$0xFFFFFF90] =	vst v2  }
0x142: {  	v2 =	vld [tilespmem:s6+$0xFFFFFFA0];
	_ =	sdelay $0x4  }
0x143: {  	v2 =	vmul.f32 v2, v1;
	_ =	sdelay $0x1  }
0x144: {  	[tilespmem:s7+$0xFFFFFFA0] =	vst v2  }
0x145: {  	v2 =	vld [tilespmem:s6+$0xFFFFFFB0];
	_ =	sdelay $0x4  }
0x146: {  	v2 =	vmul.f32 v2, v1;
	_ =	sdelay $0x1  }
0x147: {  	[tilespmem:s7+$0xFFFFFFB0] =	vst v2  }
0x148: {  	v2 =	vld [tilespmem:s6+$0xFFFFFFC0];
	_ =	sdelay $0x4  }
0x149: {  	v2 =	vmul.f32 v2, v1;
	_ =	sdelay $0x1  }
0x14a: {  	[tilespmem:s7+$0xFFFFFFC0] =	vst v2  }
0x14b: {  	v2 =	vld [tilespmem:s6+$0xFFFFFFD0];
	_ =	sdelay $0x4  }
0x14c: {  	v2 =	vmul.f32 v2, v1;
	_ =	sdelay $0x1  }
0x14d: {  	[tilespmem:s7+$0xFFFFFFD0] =	vst v2  }
0x14e: {  	v2 =	vld [tilespmem:s6+$0xFFFFFFE0];
	_ =	sdelay $0x4  }
0x14f: {  	v2 =	vmul.f32 v2, v1;
	_ =	sdelay $0x1  }
0x150: {  	[tilespmem:s7+$0xFFFFFFE0] =	vst v2  }
0x151: {  	v2 =	vld [tilespmem:s6+$0xFFFFFFF0];
	_ =	sdelay $0x4  }
0x152: {  	v2 =	vmul.f32 v2, v1;
	_ =	sdelay $0x1  }
0x153: {  	[tilespmem:s7+$0xFFFFFFF0] =	vst v2  }
0x154: {  	v2 =	vld [tilespmem:s6+$0x0];
	_ =	sdelay $0x4  }
0x155: {  	v2 =	vmul.f32 v2, v1;
	_ =	sdelay $0x1  }
0x156: {  	[tilespmem:s7+$0x0] =	vst v2  }
0x157: {  	v2 =	vld [tilespmem:s6+$0x10];
	_ =	sdelay $0x4  }
0x158: {  	v2 =	vmul.f32 v2, v1;
	_ =	sdelay $0x1  }
0x159: {  	[tilespmem:s7+$0x10] =	vst v2  }
0x15a: {  	v2 =	vld [tilespmem:s6+$0x20];
	_ =	sdelay $0x4  }
0x15b: {  	v2 =	vmul.f32 v2, v1;
	_ =	sdelay $0x1  }
0x15c: {  	[tilespmem:s7+$0x20] =	vst v2  }
0x15d: {  	v2 =	vld [tilespmem:s6+$0x30];
	_ =	sdelay $0x4  }
0x15e: {  	v2 =	vmul.f32 v2, v1;
	_ =	sdelay $0x1  }
0x15f: {  	[tilespmem:s7+$0x30] =	vst v2  }
0x160: {  	v2 =	vld [tilespmem:s6+$0x40];
	_ =	sdelay $0x4  }
0x161: {  	v2 =	vmul.f32 v2, v1;
	_ =	sdelay $0x1  }
0x162: {  	[tilespmem:s7+$0x40] =	vst v2  }
0x163: {  	v2 =	vld [tilespmem:s6+$0x50];
	_ =	sdelay $0x4  }
0x164: {  	v2 =	vmul.f32 v2, v1;
	_ =	sdelay $0x1  }
0x165: {  	[tilespmem:s7+$0x50] =	vst v2  }
0x166: {  	v2 =	vld [tilespmem:s6+$0x60];
	_ =	sdelay $0x4  }
0x167: {  	v2 =	vmul.f32 v2, v1;
	_ =	sdelay $0x1  }
0x168: {  	[tilespmem:s7+$0x60] =	vst v2  }
0x169: {  	v2 =	vld [tilespmem:s6+$0x70];
	_ =	sdelay $0x4  }
0x16a: {  	v2 =	vmul.f32 v2, v1;
	_ =	sdelay $0x1  }
0x16b: {  	[tilespmem:s7+$0x70] =	vst v2  }
0x16c: {  	v2 =	vld [tilespmem:s6+$0x80];
	_ =	sdelay $0x4  }
0x16d: {  	v2 =	vmul.f32 v2, v1;
	_ =	sdelay $0x1  }
0x16e: {  	[tilespmem:s7+$0x80] =	vst v2  }
0x16f: {  	v2 =	vld [tilespmem:s6+$0x90];
	_ =	sdelay $0x4  }
0x170: {  	v2 =	vmul.f32 v2, v1;
	_ =	sdelay $0x1  }
0x171: {  	[tilespmem:s7+$0x90] =	vst v2  }
0x172: {  	v2 =	vld [tilespmem:s6+$0xA0];
	_ =	sdelay $0x4  }
0x173: {  	v2 =	vmul.f32 v2, v1;
	_ =	sdelay $0x1  }
0x174: {  	[tilespmem:s7+$0xA0] =	vst v2  }
0x175: {  	v2 =	vld [tilespmem:s6+$0xB0];
	_ =	sdelay $0x4  }
0x176: {  	v2 =	vmul.f32 v2, v1;
	_ =	sdelay $0x1  }
0x177: {  	[tilespmem:s7+$0xB0] =	vst v2  }
0x178: {  	v2 =	vld [tilespmem:s6+$0xC0];
	_ =	sdelay $0x4  }
0x179: {  	v2 =	vmul.f32 v2, v1;
	_ =	sdelay $0x1  }
0x17a: {  	[tilespmem:s7+$0xC0] =	vst v2  }
0x17b: {  	v2 =	vld [tilespmem:s6+$0xD0];
	_ =	sdelay $0x4  }
0x17c: {  	v2 =	vmul.f32 v2, v1;
	_ =	sdelay $0x1  }
0x17d: {  	[tilespmem:s7+$0xD0] =	vst v2  }
0x17e: {  	v2 =	vld [tilespmem:s6+$0xE0];
	_ =	sdelay $0x4  }
0x17f: {  	v2 =	vmul.f32 v2, v1;
	_ =	sdelay $0x1  }
0x180: {  	[tilespmem:s7+$0xE0] =	vst v2  }
0x181: {  	v2 =	vld [tilespmem:s6+$0xF0];
	_ =	sdelay $0x4  }
0x182: {  	v2 =	vmul.f32 v2, v1;
	_ =	sdelay $0x1  }
0x183: {  	[tilespmem:s7+$0xF0] =	vst v2  }
0x184: {  	v2 =	vld [tilespmem:s6+$0x100];
	_ =	sdelay $0x4  }
0x185: {  	v2 =	vmul.f32 v2, v1;
	_ =	sdelay $0x1  }
0x186: {  	[tilespmem:s7+$0x100] =	vst v2  }
0x187: {  	v2 =	vld [tilespmem:s6+$0x110];
	_ =	sdelay $0x4  }
0x188: {  	v2 =	vmul.f32 v2, v1;
	_ =	sdelay $0x1  }
0x189: {  	[tilespmem:s7+$0x110] =	vst v2  }
0x18a: {  	v2 =	vld [tilespmem:s6+$0x120];
	_ =	sdelay $0x4  }
0x18b: {  	v2 =	vmul.f32 v2, v1;
	_ =	sdelay $0x1  }
0x18c: {  	[tilespmem:s7+$0x120] =	vst v2  }
0x18d: {  	v2 =	vld [tilespmem:s6+$0x130];
	_ =	sdelay $0x4  }
0x18e: {  	v2 =	vmul.f32 v2, v1;
	_ =	sdelay $0x1  }
0x18f: {  	[tilespmem:s7+$0x130] =	vst v2  }
0x190: {  	v2 =	vld [tilespmem:s6+$0x140];
	_ =	sdelay $0x4  }
0x191: {  	v2 =	vmul.f32 v2, v1;
	_ =	sdelay $0x1  }
0x192: {  	[tilespmem:s7+$0x140] =	vst v2  }
0x193: {  	v2 =	vld [tilespmem:s6+$0x150];
	_ =	sdelay $0x4  }
0x194: {  	v2 =	vmul.f32 v2, v1;
	_ =	sdelay $0x1  }
0x195: {  	[tilespmem:s7+$0x150] =	vst v2  }
0x196: {  	v2 =	vld [tilespmem:s6+$0x160];
	_ =	sdelay $0x4  }
0x197: {  	v2 =	vmul.f32 v2, v1;
	_ =	sdelay $0x1  }
0x198: {  	[tilespmem:s7+$0x160] =	vst v2  }
0x199: {  	v2 =	vld [tilespmem:s6+$0x170];
	_ =	sdelay $0x4  }
0x19a: {  	v2 =	vmul.f32 v2, v1;
	_ =	sdelay $0x1  }
0x19b: {  	[tilespmem:s7+$0x170] =	vst v2  }
0x19c: {  	v2 =	vld [tilespmem:s6+$0x180];
	_ =	sdelay $0x4  }
0x19d: {  	v2 =	vmul.f32 v2, v1;
	_ =	sdelay $0x1  }
0x19e: {  	[tilespmem:s7+$0x180] =	vst v2  }
0x19f: {  	v2 =	vld [tilespmem:s6+$0x190];
	_ =	sdelay $0x4  }
0x1a0: {  	v1 =	vmul.f32 v2, v1  }
.Ltmp0:
0x1a1: {  	(pc) =	sbr.rel @p0 .LBB2_3-.Ltmp0, $4  }
0x1a2: {  	s2 =	sshra.s32 s9, $0x2;
	s9 =	smov.u32 s30;
	[tilespmem:s7+$0x190] =	vst v1  }
0x1a3: {  	v1 =	vld.idx.msk [tilespmem:v0+s2+$0x0 ss:$0x1], $0xffff  }
0x1a4: {  	s10 =	sadd.s32 $0x1, s10  }
0x1a5: {  	s30 =	sadd.s32 $0x40, s30;
	v2 =	vmov s10  }
0x1a6: {  	_ =	sdelay $0x2  }
0x1a7: {  	[tilespmem:s7+$0x1A0] =	vst v1  }
0x1a8: {  	s10 =	sadd.s32 $0x340, s6;
	v1 =	vld.idx.msk [tilespmem:v2+s11+$0x0], $0xffff  }
0x1a9: {  	v63 =	vld [tilespmem:s10+$0xFFFFFE60];
	_ =	sdelay $0x4  }
0x1aa: {  	v2 =	vmul.f32 v63, v1  }
0x1ab: {  	s7 =	sadd.s32 $0x350, s7  }
0x1ac: {  	[tilespmem:s7+$0xFFFFFE60] =	vst v2  }
0x1ad: {  	v2 =	vld [tilespmem:s10+$0xFFFFFE70];
	_ =	sdelay $0x4  }
0x1ae: {  	v2 =	vmul.f32 v2, v1;
	_ =	sdelay $0x1  }
0x1af: {  	[tilespmem:s7+$0xFFFFFE70] =	vst v2  }
0x1b0: {  	v2 =	vld [tilespmem:s10+$0xFFFFFE80];
	_ =	sdelay $0x4  }
0x1b1: {  	v2 =	vmul.f32 v2, v1;
	_ =	sdelay $0x1  }
0x1b2: {  	[tilespmem:s7+$0xFFFFFE80] =	vst v2  }
0x1b3: {  	v2 =	vld [tilespmem:s10+$0xFFFFFE90];
	_ =	sdelay $0x4  }
0x1b4: {  	v2 =	vmul.f32 v2, v1;
	_ =	sdelay $0x1  }
0x1b5: {  	[tilespmem:s7+$0xFFFFFE90] =	vst v2  }
0x1b6: {  	v2 =	vld [tilespmem:s10+$0xFFFFFEA0];
	_ =	sdelay $0x4  }
0x1b7: {  	v2 =	vmul.f32 v2, v1;
	_ =	sdelay $0x1  }
0x1b8: {  	[tilespmem:s7+$0xFFFFFEA0] =	vst v2  }
0x1b9: {  	v2 =	vld [tilespmem:s10+$0xFFFFFEB0];
	_ =	sdelay $0x4  }
0x1ba: {  	v2 =	vmul.f32 v2, v1;
	_ =	sdelay $0x1  }
0x1bb: {  	[tilespmem:s7+$0xFFFFFEB0] =	vst v2  }
0x1bc: {  	v2 =	vld [tilespmem:s10+$0xFFFFFEC0];
	_ =	sdelay $0x4  }
0x1bd: {  	v2 =	vmul.f32 v2, v1;
	_ =	sdelay $0x1  }
0x1be: {  	[tilespmem:s7+$0xFFFFFEC0] =	vst v2  }
0x1bf: {  	v2 =	vld [tilespmem:s10+$0xFFFFFED0];
	_ =	sdelay $0x4  }
0x1c0: {  	v2 =	vmul.f32 v2, v1;
	_ =	sdelay $0x1  }
0x1c1: {  	[tilespmem:s7+$0xFFFFFED0] =	vst v2  }
0x1c2: {  	v2 =	vld [tilespmem:s10+$0xFFFFFEE0];
	_ =	sdelay $0x4  }
0x1c3: {  	v2 =	vmul.f32 v2, v1;
	_ =	sdelay $0x1  }
0x1c4: {  	[tilespmem:s7+$0xFFFFFEE0] =	vst v2  }
0x1c5: {  	v2 =	vld [tilespmem:s10+$0xFFFFFEF0];
	_ =	sdelay $0x4  }
0x1c6: {  	v2 =	vmul.f32 v2, v1;
	_ =	sdelay $0x1  }
0x1c7: {  	[tilespmem:s7+$0xFFFFFEF0] =	vst v2  }
0x1c8: {  	v2 =	vld [tilespmem:s10+$0xFFFFFF00];
	_ =	sdelay $0x4  }
0x1c9: {  	v2 =	vmul.f32 v2, v1;
	_ =	sdelay $0x1  }
0x1ca: {  	[tilespmem:s7+$0xFFFFFF00] =	vst v2  }
0x1cb: {  	v2 =	vld [tilespmem:s10+$0xFFFFFF10];
	_ =	sdelay $0x4  }
0x1cc: {  	v2 =	vmul.f32 v2, v1;
	_ =	sdelay $0x1  }
0x1cd: {  	[tilespmem:s7+$0xFFFFFF10] =	vst v2  }
0x1ce: {  	v2 =	vld [tilespmem:s10+$0xFFFFFF20];
	_ =	sdelay $0x4  }
0x1cf: {  	v2 =	vmul.f32 v2, v1;
	_ =	sdelay $0x1  }
0x1d0: {  	[tilespmem:s7+$0xFFFFFF20] =	vst v2  }
0x1d1: {  	v2 =	vld [tilespmem:s10+$0xFFFFFF30];
	_ =	sdelay $0x4  }
0x1d2: {  	v2 =	vmul.f32 v2, v1;
	_ =	sdelay $0x1  }
0x1d3: {  	[tilespmem:s7+$0xFFFFFF30] =	vst v2  }
0x1d4: {  	v2 =	vld [tilespmem:s10+$0xFFFFFF40];
	_ =	sdelay $0x4  }
0x1d5: {  	v2 =	vmul.f32 v2, v1;
	_ =	sdelay $0x1  }
0x1d6: {  	[tilespmem:s7+$0xFFFFFF40] =	vst v2  }
0x1d7: {  	v2 =	vld [tilespmem:s10+$0xFFFFFF50];
	_ =	sdelay $0x4  }
0x1d8: {  	v2 =	vmul.f32 v2, v1;
	_ =	sdelay $0x1  }
0x1d9: {  	[tilespmem:s7+$0xFFFFFF50] =	vst v2  }
0x1da: {  	v2 =	vld [tilespmem:s10+$0xFFFFFF60];
	_ =	sdelay $0x4  }
0x1db: {  	v2 =	vmul.f32 v2, v1;
	_ =	sdelay $0x1  }
0x1dc: {  	[tilespmem:s7+$0xFFFFFF60] =	vst v2  }
0x1dd: {  	v2 =	vld [tilespmem:s10+$0xFFFFFF70];
	_ =	sdelay $0x4  }
0x1de: {  	v2 =	vmul.f32 v2, v1;
	_ =	sdelay $0x1  }
0x1df: {  	[tilespmem:s7+$0xFFFFFF70] =	vst v2  }
0x1e0: {  	v2 =	vld [tilespmem:s10+$0xFFFFFF80];
	_ =	sdelay $0x4  }
0x1e1: {  	v2 =	vmul.f32 v2, v1;
	_ =	sdelay $0x1  }
0x1e2: {  	[tilespmem:s7+$0xFFFFFF80] =	vst v2  }
0x1e3: {  	v2 =	vld [tilespmem:s10+$0xFFFFFF90];
	_ =	sdelay $0x4  }
0x1e4: {  	v2 =	vmul.f32 v2, v1;
	_ =	sdelay $0x1  }
0x1e5: {  	[tilespmem:s7+$0xFFFFFF90] =	vst v2  }
0x1e6: {  	v2 =	vld [tilespmem:s10+$0xFFFFFFA0];
	_ =	sdelay $0x4  }
0x1e7: {  	v2 =	vmul.f32 v2, v1;
	_ =	sdelay $0x1  }
0x1e8: {  	[tilespmem:s7+$0xFFFFFFA0] =	vst v2  }
0x1e9: {  	v2 =	vld [tilespmem:s10+$0xFFFFFFB0];
	_ =	sdelay $0x4  }
0x1ea: {  	v2 =	vmul.f32 v2, v1;
	_ =	sdelay $0x1  }
0x1eb: {  	[tilespmem:s7+$0xFFFFFFB0] =	vst v2  }
0x1ec: {  	v2 =	vld [tilespmem:s10+$0xFFFFFFC0];
	_ =	sdelay $0x4  }
0x1ed: {  	v2 =	vmul.f32 v2, v1;
	_ =	sdelay $0x1  }
0x1ee: {  	[tilespmem:s7+$0xFFFFFFC0] =	vst v2  }
0x1ef: {  	v2 =	vld [tilespmem:s10+$0xFFFFFFD0];
	_ =	sdelay $0x4  }
0x1f0: {  	v2 =	vmul.f32 v2, v1;
	_ =	sdelay $0x1  }
0x1f1: {  	[tilespmem:s7+$0xFFFFFFD0] =	vst v2  }
0x1f2: {  	v2 =	vld [tilespmem:s10+$0xFFFFFFE0];
	_ =	sdelay $0x4  }
0x1f3: {  	v2 =	vmul.f32 v2, v1;
	_ =	sdelay $0x1  }
0x1f4: {  	[tilespmem:s7+$0xFFFFFFE0] =	vst v2  }
0x1f5: {  	v2 =	vld [tilespmem:s10+$0xFFFFFFF0];
	_ =	sdelay $0x4  }
0x1f6: {  	v2 =	vmul.f32 v2, v1;
	_ =	sdelay $0x1  }
0x1f7: {  	[tilespmem:s7+$0xFFFFFFF0] =	vst v2  }
0x1f8: {  	v2 =	vld [tilespmem:s10+$0x0];
	_ =	sdelay $0x4  }
0x1f9: {  	v2 =	vmul.f32 v2, v1;
	_ =	sdelay $0x1  }
0x1fa: {  	[tilespmem:s7+$0x0] =	vst v2  }
0x1fb: {  	v2 =	vld [tilespmem:s10+$0x10];
	_ =	sdelay $0x4  }
0x1fc: {  	v2 =	vmul.f32 v2, v1;
	_ =	sdelay $0x1  }
0x1fd: {  	[tilespmem:s7+$0x10] =	vst v2  }
0x1fe: {  	v2 =	vld [tilespmem:s10+$0x20];
	_ =	sdelay $0x4  }
0x1ff: {  	v2 =	vmul.f32 v2, v1;
	_ =	sdelay $0x1  }
0x200: {  	[tilespmem:s7+$0x20] =	vst v2  }
0x201: {  	v2 =	vld [tilespmem:s10+$0x30];
	_ =	sdelay $0x4  }
0x202: {  	v2 =	vmul.f32 v2, v1;
	_ =	sdelay $0x1  }
0x203: {  	[tilespmem:s7+$0x30] =	vst v2  }
0x204: {  	v2 =	vld [tilespmem:s10+$0x40];
	_ =	sdelay $0x4  }
0x205: {  	v2 =	vmul.f32 v2, v1;
	_ =	sdelay $0x1  }
0x206: {  	[tilespmem:s7+$0x40] =	vst v2  }
0x207: {  	v2 =	vld [tilespmem:s10+$0x50];
	_ =	sdelay $0x4  }
0x208: {  	v2 =	vmul.f32 v2, v1;
	_ =	sdelay $0x1  }
0x209: {  	[tilespmem:s7+$0x50] =	vst v2  }
0x20a: {  	v2 =	vld [tilespmem:s10+$0x60];
	_ =	sdelay $0x4  }
0x20b: {  	v2 =	vmul.f32 v2, v1;
	_ =	sdelay $0x1  }
0x20c: {  	[tilespmem:s7+$0x60] =	vst v2  }
0x20d: {  	v2 =	vld [tilespmem:s10+$0x70];
	_ =	sdelay $0x4  }
0x20e: {  	v2 =	vmul.f32 v2, v1;
	_ =	sdelay $0x1  }
0x20f: {  	[tilespmem:s7+$0x70] =	vst v2  }
0x210: {  	v2 =	vld [tilespmem:s10+$0x80];
	_ =	sdelay $0x4  }
0x211: {  	v2 =	vmul.f32 v2, v1;
	_ =	sdelay $0x1  }
0x212: {  	[tilespmem:s7+$0x80] =	vst v2  }
0x213: {  	v2 =	vld [tilespmem:s10+$0x90];
	_ =	sdelay $0x4  }
0x214: {  	v2 =	vmul.f32 v2, v1;
	_ =	sdelay $0x1  }
0x215: {  	[tilespmem:s7+$0x90] =	vst v2  }
0x216: {  	v2 =	vld [tilespmem:s10+$0xA0];
	_ =	sdelay $0x4  }
0x217: {  	v2 =	vmul.f32 v2, v1;
	_ =	sdelay $0x1  }
0x218: {  	[tilespmem:s7+$0xA0] =	vst v2  }
0x219: {  	v2 =	vld [tilespmem:s10+$0xB0];
	_ =	sdelay $0x4  }
0x21a: {  	v2 =	vmul.f32 v2, v1;
	_ =	sdelay $0x1  }
0x21b: {  	[tilespmem:s7+$0xB0] =	vst v2  }
0x21c: {  	v2 =	vld [tilespmem:s10+$0xC0];
	_ =	sdelay $0x4  }
0x21d: {  	v2 =	vmul.f32 v2, v1;
	_ =	sdelay $0x1  }
0x21e: {  	[tilespmem:s7+$0xC0] =	vst v2  }
0x21f: {  	v2 =	vld [tilespmem:s10+$0xD0];
	_ =	sdelay $0x4  }
0x220: {  	v2 =	vmul.f32 v2, v1;
	_ =	sdelay $0x1  }
0x221: {  	[tilespmem:s7+$0xD0] =	vst v2  }
0x222: {  	v2 =	vld [tilespmem:s10+$0xE0];
	_ =	sdelay $0x4  }
0x223: {  	v2 =	vmul.f32 v2, v1;
	_ =	sdelay $0x1  }
0x224: {  	[tilespmem:s7+$0xE0] =	vst v2  }
0x225: {  	v2 =	vld [tilespmem:s10+$0xF0];
	_ =	sdelay $0x4  }
0x226: {  	v2 =	vmul.f32 v2, v1;
	_ =	sdelay $0x1  }
0x227: {  	[tilespmem:s7+$0xF0] =	vst v2  }
0x228: {  	v2 =	vld [tilespmem:s10+$0x100];
	_ =	sdelay $0x4  }
0x229: {  	v2 =	vmul.f32 v2, v1;
	_ =	sdelay $0x1  }
0x22a: {  	[tilespmem:s7+$0x100] =	vst v2  }
0x22b: {  	v2 =	vld [tilespmem:s10+$0x110];
	_ =	sdelay $0x4  }
0x22c: {  	v2 =	vmul.f32 v2, v1;
	_ =	sdelay $0x1  }
0x22d: {  	[tilespmem:s7+$0x110] =	vst v2  }
0x22e: {  	v2 =	vld [tilespmem:s10+$0x120];
	_ =	sdelay $0x4  }
0x22f: {  	v2 =	vmul.f32 v2, v1;
	_ =	sdelay $0x1  }
0x230: {  	[tilespmem:s7+$0x120] =	vst v2  }
0x231: {  	v2 =	vld [tilespmem:s10+$0x130];
	_ =	sdelay $0x4  }
0x232: {  	v2 =	vmul.f32 v2, v1;
	_ =	sdelay $0x1  }
0x233: {  	[tilespmem:s7+$0x130] =	vst v2  }
0x234: {  	v2 =	vld [tilespmem:s10+$0x140];
	_ =	sdelay $0x4  }
0x235: {  	v2 =	vmul.f32 v2, v1;
	_ =	sdelay $0x1  }
0x236: {  	[tilespmem:s7+$0x140] =	vst v2  }
0x237: {  	v2 =	vld [tilespmem:s10+$0x150];
	_ =	sdelay $0x4  }
0x238: {  	v2 =	vmul.f32 v2, v1;
	_ =	sdelay $0x1  }
0x239: {  	[tilespmem:s7+$0x150] =	vst v2  }
0x23a: {  	v2 =	vld [tilespmem:s10+$0x160];
	_ =	sdelay $0x4  }
0x23b: {  	v2 =	vmul.f32 v2, v1;
	_ =	sdelay $0x1  }
0x23c: {  	[tilespmem:s7+$0x160] =	vst v2  }
0x23d: {  	v2 =	vld [tilespmem:s10+$0x170];
	_ =	sdelay $0x4  }
0x23e: {  	v2 =	vmul.f32 v2, v1;
	_ =	sdelay $0x1  }
0x23f: {  	[tilespmem:s7+$0x170] =	vst v2  }
0x240: {  	v2 =	vld [tilespmem:s10+$0x180];
	_ =	sdelay $0x4  }
0x241: {  	v2 =	vmul.f32 v2, v1;
	_ =	sdelay $0x1  }
0x242: {  	[tilespmem:s7+$0x180] =	vst v2  }
0x243: {  	v2 =	vld [tilespmem:s10+$0x190];
	_ =	sdelay $0x4  }
0x244: {  	v1 =	vmul.f32 v2, v1;
	_ =	sdelay $0x1  }
0x245: {  	s2 =	sshra.s32 s9, $0x2;
	[tilespmem:s7+$0x190] =	vst v1  }
0x246: {  	v0 =	vld.idx.msk [tilespmem:v0+s2+$0x0 ss:$0x1], $0xffff;
	_ =	sdelay $0x1  }
0x247: {  	s10 =	sadd.s32 s5, s8  }
0x248: {  	s0 =	sadd.s32 $0x1, s0;
	s2 =	smul.u32 $0x6A, s10  }
0x249: {  	s30 =	rddreg [dreg:$0x1];
	p0 =	sne.s32 s0, $0x8  }
.Ltmp1:
0x24a: {  	s2 =	sadd.s32 s30, s2;
	[tilespmem:s7+$0x1A0] =	vst v0;
	(pc) =	sbr.rel @p0 .LBB2_2-.Ltmp1, $4  }
0x24b: {  	[hbm4b:s2+s3] =	stream.linear.scatter [tilespmem:s28], [sflag:$0x2], $0xD400, $0x38;
	[tilespmem:$0x1FA00] =	vst v63  }
0x24c: {  	_ =	swait.ge [sflag:s29], $0xD400  }
0x24d: {  	[sflag:s29] =	ssyncset.done $0x0  }
0x24e: {  	s1 =	sadd.s32 $0x40, s1;
	s31 =	sadd.s32 $0x400, s31;
	[sflag:s29] =	ssyncadd.s32 $0xFFFF2C00  }
0x24f: {  	s1 =	rddreg [dreg:$0x7]  }
0x250: {  	s0 =	rddreg [dreg:$0x6];
	s1 =	sadd.s32 $0x1, s1  }
0x251: {  	p0 =	sne.s32 s1, s0  }
.Ltmp2:
0x252: {  	_ = 	snop;
	(pc) =	sbr.rel @p0 .LBB2_1-.Ltmp2, $1  }
0x253: {  	_ =	sdelay $0x3  }
0x254: {  	_ =	sfence.sel $0x180000  }
0x255: {  	[bflag:$0x0] =	sbarrier.arrive $0xFFFF  }
0x256: {  	_ =	strace $0x90000047  }
0x257: {  	s0 =	stileid.u32;
	[bflag:$0x2] =	sbarrier.arrive $0xFFFF  }
0x258: {  	p0 =	sne.s32 s0, $0x0;
	s0 =	rddreg [dreg:$0x2]  }
0x259: {  	s0 =	sadd.s32 @!p0 $0x100000, s0  }
0x25a: {  	[sflag:s0] =	ssyncadd.tile.s32 @!p0 $0x1;
	_ =	shalt  }
.Lfunc_end2:
_tile_overlayer_lowered:
.L_overlay_start_2:
0x25b: {  	(tag) =	ssettag $0x2  }
0x25c: {  	s0 =	rddreg [dreg:$0x0];
	s2 =	stileid.u32  }
0x25d: {  	s1 =	rddreg [dreg:$0x1];
	p0 =	sne.s32 s2, $0x0  }
0x25e: {  	s3 =	rddreg [dreg:$0x2];
	[bflag:$0x3] =	sbarrier.arrive $0xFFFF;
	s2 =	simm.s32 @!p0 $0x1C03  }
0x25f: {  	[timem:s3], [sflag:s2] =	dma.local @!p0 [hbm:s0], s1  }
0x260: {  	s0 =	simm.s32 @!p0 $0x3  }
0x261: {  	_ =	swait.ge @!p0 [sflag:s0], s1  }
0x262: {  	s1 =	ssub.s32 @!p0 $0x0, s1;
	[sflag:s0] =	ssyncset.done @!p0 $0x0  }
0x263: {  	[sflag:s0] =	ssyncadd.s32 @!p0 s1  }
0x264: {  	[bflag:$0x3] =	sbarrier.arrive $0xFFFF  }
0x265: {  	_ =	shalt  }

// kernel: sparse-core-data-format-call.cloned.1.call-start
scs
called_computation_lowered:
.L_overlay_start_0:
0x0: {  	s2 =	sld [smem:$0x3FD9]  }
0x1: {  	s3 =	sld [smem:$0x3FFE];
	_ =	sdelay $0x1  }
0x2: {  	s1 =	srdreg.scid  }
0x3: {  	s0 =	sand.u32 $0x1, s1  }
0x4: {  	s18 =	sshll.u32 s0, $0xA;
	s2 =	sadd.s32 s3, s2  }
0x5: {  	s2 =	sadd.s32 s2, s18  }
0x6: {  	[smem:$0x3FC4] =	sst s2  }
0x7: {  	_ = 	snop  }
0x8: {  	s2 =	sld [smem:$0x3FD0];
	(tm) =	ssettm $0x1  }
0x9: {  	s19 =	sld [smem:$0x3FFB];
	_ =	sdelay $0x3  }
0xa: {  	_ =	strace s19  }
0xb: {  	s3 =	sld [smem:$0x3FFC];
	_ =	sdelay $0x3  }
0xc: {  	_ =	strace s3  }
0xd: {  	s3 =	sld [smem:$0x3FFD];
	_ =	sdelay $0x3  }
0xe: {  	_ =	strace s3  }
0xf: {  	_ =	strace $0x8FFFFFFF  }
0x10: {  	s20 =	sld [smem:$0x3FDB];
	_ =	sdelay $0x1  }
0x11: {  	s4 =	simm.s32 $_scs_section_size  }
0x12: {  	s5 =	simm.s32 $_size__tile_overlayer_lowered;
	s6 =	simm.s32 $_tile_overlayer_lowered  }
0x13: {  	s23 =	simm.s32 $0x1BFF;
	s22 =	sshll.u32 s6, $0x1;
	s3 =	sadd.s32 s4, s20  }
0x14: {  	s7 =	simm.s32 $0x0;
	s21 =	sshll.u32 s5, $0x1;
	s5 =	sadd.s32 s22, s3  }
0x15: {  	[timem:s7], [sflag:s23] =	dma.local [hbm:s5], s21  }
0x16: {  	_ =	swait.ge [sflag:s23], s21  }
0x17: {  	s4 =	ssub.s32 $0x0, s21;
	[sflag:s23] =	ssyncset.done $0x0  }
0x18: {  	[sflag:s23] =	ssyncadd.s32 s4;
	_ =	sdelay $0x1  }
0x19: {  	s24 =	simm.s32 $0x1B8B  }
0x1a: {  	_ =	swait.ge [sflag:s24], $0x1  }
0x1b: {  	[sflag:s24] =	ssyncset.done $0x0  }
0x1c: {  	s26 =	simm.s32 $0x1B8E;
	s25 =	sld [smem:$0x3FFE];
	[sflag:s24] =	ssyncadd.s32 $0xFFFFFFFF  }
0x1d: {  	s27 =	simm.s32 $execute0_lowered;
	[smem:$0x3FD2] =	sst s26  }
0x1e: {  	s5 =	sshll.u32 s27, $0x1;
	_ =	strace $0x80000049;
	[dreg:$0x1] =	wrdreg $0xFFFFFFFF  }
0x1f: {  	s28 =	simm.s32 $_size_execute0_lowered;
	s3 =	sadd.s32 s3, s5;
	[dreg:$0x0] =	wrdreg $0x0  }
0x20: {  	s5 =	sshll.u32 s28, $0x1;
	[dreg:$0x2] =	wrdreg s3  }
0x21: {  	[dreg:$0x3] =	wrdreg s5  }
0x22: {  	[dreg:$0x4] =	wrdreg $0xC0  }
0x23: {  	_ =	task [dreg:s7], $0x5FFFF  }
0x24: {  	[dreg:$0x1] =	wrdreg $0xFFFFFFFF  }
0x25: {  	[dreg:$0x0] =	wrdreg $0x60  }
0x26: {  	[dreg:$0x2] =	wrdreg s25  }
0x27: {  	[dreg:$0x3] =	wrdreg s2  }
0x28: {  	[dreg:$0x4] =	wrdreg $0x9  }
0x29: {  	_ =	task.clear_ibuf [dreg:s7], $0x5FFFF;
	_ =	strace $0x90000049  }
0x2a: {  	s29 =	simm.s32 $0x9;
	_ =	strace $0x8000004B  }
0x2b: {  	_ =	swait.ge [sflag:s29], $0x1  }
0x2c: {  	[sflag:s29] =	ssyncadd.s32 $0xFFFFFFFF  }
0x2d: {  	_ =	strace $0x9000004B  }
0x2e: {  	_ =	sfence  }
0x2f: {  	s30 =	sld [smem:$0x0];
	_ =	sdelay $0x2  }
0x30: {  	s31 =	sshll.u32 s1, $0xD;
	s1 =	sshrl.u32 s1, $0x2  }
0x31: {  	s3 =	sand.u32 $0x4000, s31;
	s1 =	sadd.s32 s1, s30  }
0x32: {  	s0 =	sor.u32 s3, s0;
	s1 =	sshll.u32 s1, $0x11  }
0x33: {  	s0 =	sor.u32 s1, s0  }
0x34: {  	s0 =	sadd.s32 $0x8F2B, s0  }
0x35: {  	[sflag:s0] =	ssyncadd.remote.s32 $0x1  }
0x36: {  	_ =	sfence.sel $0xFFFF  }
0x37: {  	[dreg:$0x0] =	wrdreg $0xFFFFFFFF;
	(pc) =	sbr.abs _section_cstart, $3  }
0x38: {  	[dreg:$0x1] =	wrdreg $0xFFFFFFFF  }
0x39: {  	_ =	task.clear_ibuf [dreg:s7], $0x2FFFF;
	_ =	strace $0x9FFFFFFF  }
0x3a: {  	(tm) =	ssettm $0x7FFFFFFF  }
0x3b: {  	_ =	shalt  }
tec
execute0_lowered:
.L_overlay_start_1:
0x0: {  	(tag) =	ssettag $0x1  }
0x1: {  	s0 =	srdreg.scid  }
0x2: {  	s1 =	sshll.u32 s0, $0x4  }
0x3: {  	s6 =	rddreg [dreg:$0x0];
	s0 =	stileid.u32;
	s1 =	sand.u32 $0x10, s1  }
0x4: {  	s3 =	rddreg [dreg:$0x1];
	s1 =	sor.u32 s0, s1  }
0x5: {  	s5 =	simm.s32 $0x1;
	s31 =	simm.s32 $0x2;
	s2 =	sshll.u32 s1, $0x7  }
0x6: {  	s15 =	simm.s32 $0x0;
	s8 =	simm.s32 $0x20000;
	s4 =	ssub.s32 $0x4000, s2  }
0x7: {  	s14 =	simm.s32 $0x0;
	s9 =	simm.s32 $0x0;
	s30 =	sand.u32 $0xF80, s4  }
0x8: {  	s10 =	simm.s32 $0x0;
	s11 =	simm.s32 $0x0;
	p0 =	sne.s32 s30, $0x0  }
.Ltmp0:
0x9: {  	s7 =	sshrl.u32 s4, $0xC;
	s5 =	simm.s32 @!p0 $0x0;
	(pc) =	sbr.rel .LBB1_1-.Ltmp0, $4  }
0xa: {  	s13 =	simm.s32 $0x0;
	s1 =	rddreg [dreg:$0x2];
	s5 =	sadd.s32 s5, s7  }
0xb: {  	_ =	strace $0x8000004A;
	s4 =	simm.s32 $0x1;
	s5 =	smul.u32 $0x7, s5  }
0xc: {  	s6 =	sadd.s32 $0xA00, s6;
	s12 =	smov.u32 s2;
	[sflag:s4] =	ssyncpa.u1 $0x0  }
0xd: {  	[sflag:s31] =	ssyncpa.u1 $0x0;
	p0 =	por $0x0, $0x0;
	s7 =	sadd.s32 $0x1, s5  }
.LBB1_4:
0xe: {  	s20 =	sshra.s32 s20, $0x2  }
0xf: {  	s28 =	sand.u32 $0x78, s10;
	s21 =	sshll.u32 s9, $0xE;
	s22 =	sshll.u32 s10, $0x3  }
0x10: {  	s24 =	sshll.u32 s9, $0x7;
	p1 =	sgt.s32 s9, $0x2D0;
	s30 =	sshra.s32 s9, $0x1F  }
0x11: {  	s26 =	sshra.s32 s10, $0x1F;
	s19 =	sadd.s32 s20, s19;
	s21 =	sand.u32 $0xFFFE0000, s21  }
0x12: {  	v5 =	vld [tilespmem:s17+$0xFFFFFFD0];
	[tilespmem:s18+$0x2040 ss:$0x81] =	vst.msk $0xffff, v4;
	s23 =	sand.u32 $0xFFFFFC00, s22;
	s29 =	sand.u32 $0x380, s24;
	s22 =	sand.u32 $0x3C00, s22  }
0x13: {  	v58 =	vld [tilespmem:s17+$0xFFFFFFE0];
	[tilespmem:s18+$0x2850 ss:$0x81] =	vst.msk $0xffff, v3;
	s21 =	sadd.s32 s23, s21;
	s20 =	sor.u32 s28, s22;
	s22 =	smov.u32 s9  }
0x14: {  	v59 =	vld [tilespmem:s17+$0xFFFFFFF0];
	[tilespmem:s18+$0x3060 ss:$0x81] =	vst.msk $0xffff, v2;
	s24 =	sand.u32 s30, s9;
	s21 =	sshrl.u32 s21, $0xE;
	s22 =	simm.s32 @!p1 $0x2D0  }
0x15: {  	v60 =	vld [tilespmem:s17+$0x0];
	[tilespmem:s18+$0x0 ss:$0x81] =	vst.msk $0xffff, v1;
	p1 =	sgt.s32 s10, $0x3F80;
	s31 =	ssub.s32 s22, s24;
	s22 =	smov.u32 s10  }
0x16: {  	v61 =	vld [tilespmem:s17+$0x10];
	[tilespmem:s19+$0x3870 ss:$0x81] =	vst.msk $0xffff, v0;
	s25 =	smulhi.u32 $0x4D4874, s21;
	s24 =	sand.u32 s26, s10;
	s22 =	simm.s32 @!p1 $0x3F80  }
0x17: {  	v62 =	vld [tilespmem:s17+$0x20];
	s20 =	sor.u32 s29, s20;
	[tilespmem:s19+$0x810 ss:$0x81] =	vst.msk $0xffff, v5;
	s27 =	sadd.s32 $0xFFFFFD30, s31;
	s22 =	ssub.s32 s22, s24  }
0x18: {  	v63 =	vld [tilespmem:s17+$0xFFFFFFC0];
	[tilespmem:s19+$0x1020 ss:$0x81] =	vst.msk $0xffff, v58;
	s18 =	ssub.s32 $0x350, s31;
	s28 =	smul.u32 $0x350, s25;
	s29 =	sadd.s32 $0xFFFFC080, s22  }
0x19: {  	[tilespmem:s19+$0x1830 ss:$0x81] =	vst.msk $0xffff, v59;
	p1 =	sgt.s32 s27, $0x7F;
	s22 =	ssub.s32 $0x4000, s22;
	p2 =	sgt.s32 s29, $0x7F  }
0x1a: {  	s30 =	sand.u32 $0x7, s10;
	[tilespmem:s19+$0x2040 ss:$0x81] =	vst.msk $0xffff, v60;
	s18 =	simm.s32 @p1 $0x0;
	s22 =	simm.s32 @p2 $0x0  }
0x1b: {  	s20 =	sshrl.u32 s20, $0x3;
	[tilespmem:s19+$0x2850 ss:$0x81] =	vst.msk $0xffff, v61;
	s17 =	ssub.s32 s21, s28;
	s18 =	smul.u32 s22, s18  }
0x1c: {  	[tilespmem:s19+$0x3060 ss:$0x81] =	vst.msk $0xffff, v62;
	s20 =	sadd.s32 s3, s20;
	s21 =	sshll.u32 s30, $0x12;
	s17 =	sshll.u32 s17, $0xB  }
0x1d: {  	[tilespmem:s19+$0x0 ss:$0x81] =	vst.msk $0xffff, v63;
	s31 =	sor.u32 $0x400, s21;
	s17 =	sadd.s32 s17, s20;
	s18 =	sand.u32 $0x3FFFFFFF, s18  }
0x1e: {  	[hbm4b:s17+s31] =	stream.strided.scatter [tilespmem:s16], [sflag:$0x2], s18, s8, s31, $0x20;
	[tilespmem:$0x10100] =	vst v63  }
.LBB1_5:
0x1f: {  	p1 =	slt.u32 s13, $0x2  }
0x20: {  	s17 =	smov.u32 s15;
	p2 =	sgt.s32 @!p1 s15, $0x2D0;
	s16 =	sshra.s32 @!p1 s15, $0x1F  }
0x21: {  	p3 =	sgt.s32 @!p1 s14, $0x3F80;
	s18 =	sshra.s32 @!p1 s14, $0x1F;
	p2 =	por !p2, p1  }
0x22: {  	s15 =	sand.u32 @!p1 s16, s15;
	p3 =	por !p3, p1;
	s16 =	smov.u32 s14  }
0x23: {  	s14 =	sand.u32 @!p1 s18, s14;
	s17 =	simm.s32 @p2 $0x2D0;
	s16 =	simm.s32 @p3 $0x3F80  }
0x24: {  	s15 =	ssub.s32 @!p1 s17, s15;
	s14 =	ssub.s32 @!p1 s16, s14  }
0x25: {  	s18 =	smov.u32 s12;
	s16 =	sadd.s32 @!p1 $0xFFFFFD30, s15;
	s17 =	sadd.s32 @!p1 $0xFFFFC080, s14  }
0x26: {  	s15 =	ssub.s32 @!p1 $0x350, s15;
	p2 =	sgt.s32 @!p1 s16, $0x7F;
	p3 =	sgt.s32 @!p1 s17, $0x7F  }
0x27: {  	s14 =	ssub.s32 @!p1 $0x4000, s14;
	p2 =	por !p2, p1;
	p3 =	por !p3, p1  }
0x28: {  	s16 =	sadd.s32 $0x80, s11;
	s15 =	simm.s32 @!p2 $0x0;
	s14 =	simm.s32 @!p3 $0x0  }
0x29: {  	p2 =	sgt.s32 s16, $0x34C;
	s14 =	smul.u32 @!p1 s14, s15;
	s15 =	sadd.s32 $0x1000, s12  }
0x2a: {  	s18 =	smov.u32 @p2 s15  }
0x2b: {  	s16 =	simm.s32 @p2 $0x0;
	p2 =	sgt.s32 s18, $0x3FFF  }
0x2c: {  	s18 =	smov.u32 @p2 s2;
	p2 =	sne.s32 s13, s7  }
.Ltmp1:
0x2d: {  	p0 =	por !p0, !p0;
	s17 =	simm.s32 @!p1 $0x2;
	(pc) =	sbr.rel @!p2 .LBB1_6-.Ltmp1, $4  }
0x2e: {  	s15 =	smov.u32 s9;
	s9 =	smov.u32 s11;
	s14 =	sand.u32 @!p1 $0x3FFFFFFF, s14  }
0x2f: {  	s11 =	smov.u32 s16;
	_ =	swait.ge @!p1 [sflag:s17], s14;
	s19 =	ssub.s32 @!p1 $0x0, s14  }
0x30: {  	s14 =	smov.u32 s10;
	s13 =	sadd.s32 $0x1, s13;
	[sflag:s17] =	ssyncset.done @!p1 $0x0  }
0x31: {  	s10 =	smov.u32 s12;
	s12 =	smov.u32 s18;
	[sflag:s17] =	ssyncadd.s32 @!p1 s19  }
.LBB1_1:
0x32: {  	p1 =	sge.u32 s13, s5  }
0x33: {  	s16 =	sshrl.u32 @!p1 s12, $0x3  }
0x34: {  	s17 =	sshll.u32 @!p1 s11, $0x3;
	s16 =	smul.u32 @!p1 $0x1C00, s16  }
0x35: {  	s18 =	sshll.u32 @!p1 s12, $0x7;
	s17 =	sand.u32 @!p1 $0xFFFFFC00, s17  }
0x36: {  	s16 =	sadd.s32 @!p1 s16, s17;
	s17 =	sand.u32 @!p1 $0x380, s18  }
0x37: {  	s16 =	sor.u32 @!p1 s17, s16  }
0x38: {  	s17 =	sshrl.u32 @!p1 s16, $0x7  }
0x39: {  	s17 =	smulhi.u32 @!p1 $0x24924925, s17;
	_ =	sdelay $0x1  }
0x3a: {  	s18 =	sand.u32 @!p1 $0x7F, s11;
	s19 =	smul.u32 @!p1 $0x380, s17  }
0x3b: {  	s31 =	sadd.s32 $0xFFFFFFFF, s13;
	s16 =	sor.u32 @!p1 s18, s16;
	s18 =	sxor.u32 @!p1 $0xFFFFFFFF, s13  }
0x3c: {  	s18 =	sshll.u32 @!p1 s18, $0xE;
	s17 =	sand.u32 @!p1 $0x3FFF, s17;
	s16 =	ssub.s32 @!p1 s16, s19  }
0x3d: {  	s17 =	smul.u32 @!p1 $0x70, s17;
	s19 =	sshrl.u32 @!p1 s16, $0x3;
	s16 =	sand.u32 @!p1 $0x7, s16  }
0x3e: {  	s18 =	sand.u32 @!p1 $0x4000, s18;
	s19 =	sadd.s32 @!p1 s6, s19;
	s16 =	sshll.u32 @!p1 s16, $0x12  }
0x3f: {  	s17 =	sadd.s32 @!p1 s17, s19;
	s16 =	sor.u32 @!p1 $0x400, s16;
	s19 =	simm.s32 @!p1 $0x1C00  }
0x40: {  	[tilespmem:s18], [sflag:$0x1] =	stream.strided.gather @!p1 [hbm4b:s17+s16], $0x4000, s19, s16, $0x38;
	[tilespmem:$0x10100] =	vst v63  }
0x41: {  	p1 =	sge.u32 s31, s5  }
.Ltmp2:
0x42: {  	_ = 	snop;
	(pc) =	sbr.rel @p1 .LBB1_5-.Ltmp2, $1  }
0x43: {  	_ =	sdelay $0x3  }
0x44: {  	s16 =	simm.s32 $0x1  }
0x45: {  	_ =	swait.ge [sflag:s4], $0x4000;
	s16 =	simm.s32 @!p0 $0x0  }
0x46: {  	[sflag:s4] =	ssyncset.done $0x0;
	s17 =	sshll.u32 s16, $0xE  }
0x47: {  	[sflag:s4] =	ssyncadd.s32 $0xFFFFC000;
	s17 =	sor.u32 $0x40, s17  }
0x48: {  	s16 =	smul.u32 $0x10200, s16;
	v0 =	vld [tilespmem:s17+$0x30]  }
0x49: {  	v1 =	vld [tilespmem:s17+$0xFFFFFFD0]  }
0x4a: {  	s16 =	sshrl.u32 s16, $0x2;
	v5 =	vld [tilespmem:s17+$0xFFFFFFE0]  }
0x4b: {  	v6 =	vld [tilespmem:s17+$0xFFFFFFF0];
	s19 =	sor.u32 $0x8000, s16  }
0x4c: {  	s31 =	sand.u32 $0x1, s13;
	v4 =	vld [tilespmem:s17+$0x0];
	s18 =	sadd.s32 $0x0, s19  }
0x4d: {  	v3 =	vld [tilespmem:s17+$0x10];
	s16 =	smul.u32 $0x10200, s31;
	[tilespmem:s18+$0x3870 ss:$0x81] =	vst.msk $0xffff, v0  }
0x4e: {  	v2 =	vld [tilespmem:s17+$0x20];
	[tilespmem:s18+$0x810 ss:$0x81] =	vst.msk $0xffff, v1  }
0x4f: {  	s16 =	sshrl.u32 s16, $0x2;
	v1 =	vld [tilespmem:s17+$0xFFFFFFC0];
	[tilespmem:s18+$0x1020 ss:$0x81] =	vst.msk $0xffff, v5;
	s17 =	sadd.s32 $0x80, s17  }
0x50: {  	s20 =	simm.s32 $0x4;
	s21 =	simm.s32 $0x8;
	s16 =	sor.u32 $0x8000, s16;
	[tilespmem:s18+$0x1830 ss:$0x81] =	vst.msk $0xffff, v6;
	v0 =	vld [tilespmem:s17+$0x30]  }
.LBB1_3:
0x51: {  	p1 =	sne.s32 s21, $0x1FC;
	v5 =	vld [tilespmem:s17+$0xFFFFFFD0];
	[tilespmem:s18+$0x2040 ss:$0x81] =	vst.msk $0xffff, v4  }
0x52: {  	v6 =	vld [tilespmem:s17+$0xFFFFFFE0];
	[tilespmem:s18+$0x2850 ss:$0x81] =	vst.msk $0xffff, v3  }
0x53: {  	s22 =	sshra.s32 s20, $0x2;
	s20 =	smov.u32 s21;
	v7 =	vld [tilespmem:s17+$0xFFFFFFF0];
	[tilespmem:s18+$0x3060 ss:$0x81] =	vst.msk $0xffff, v2  }
.Ltmp3:
0x54: {  	v4 =	vld [tilespmem:s17+$0x0];
	[tilespmem:s18+$0x0 ss:$0x81] =	vst.msk $0xffff, v1;
	s18 =	sadd.s32 s22, s19;
	(pc) =	sbr.rel @p1 .LBB1_3-.Ltmp3, $4  }
0x55: {  	v3 =	vld [tilespmem:s17+$0x10];
	[tilespmem:s18+$0x3870 ss:$0x81] =	vst.msk $0xffff, v0  }
0x56: {  	[tilespmem:s18+$0x810 ss:$0x81] =	vst.msk $0xffff, v5;
	v2 =	vld [tilespmem:s17+$0x20]  }
0x57: {  	v1 =	vld [tilespmem:s17+$0xFFFFFFC0];
	[tilespmem:s18+$0x1020 ss:$0x81] =	vst.msk $0xffff, v6;
	s17 =	sadd.s32 $0x80, s17  }
0x58: {  	s21 =	sadd.s32 $0x4, s21;
	v0 =	vld [tilespmem:s17+$0x30];
	[tilespmem:s18+$0x1830 ss:$0x81] =	vst.msk $0xffff, v7  }
.Ltmp4:
0x59: {  	_ = 	snop;
	(pc) =	sbr.rel .LBB1_4-.Ltmp4, $1  }
0x5a: {  	_ =	sdelay $0x3  }
.LBB1_6:
0x5b: {  	_ =	sfence.sel $0x180000  }
0x5c: {  	s2 =	simm.s32 $0x1;
	[bflag:$0x0] =	sbarrier.arrive $0xFFFF  }
0x5d: {  	s31 =	simm.s32 $0x2;
	[sflag:s2] =	ssyncpa.u1 $0x1  }
0x5e: {  	[sflag:s31] =	ssyncpa.u1 $0x1  }
0x5f: {  	p0 =	sne.s32 s0, $0x0;
	_ =	strace $0x9000004A  }
0x60: {  	s0 =	sadd.s32 @!p0 $0x100000, s1;
	[bflag:$0x2] =	sbarrier.arrive $0xFFFF  }
0x61: {  	[sflag:s0] =	ssyncadd.tile.s32 @!p0 $0x1;
	_ =	shalt  }
.Lfunc_end1:
_tile_overlayer_lowered:
.L_overlay_start_2:
0x62: {  	(tag) =	ssettag $0x2  }
0x63: {  	s0 =	rddreg [dreg:$0x0];
	s2 =	stileid.u32  }
0x64: {  	s1 =	rddreg [dreg:$0x1];
	p0 =	sne.s32 s2, $0x0  }
0x65: {  	s3 =	rddreg [dreg:$0x2];
	[bflag:$0x3] =	sbarrier.arrive $0xFFFF;
	s2 =	simm.s32 @!p0 $0x1C01  }
0x66: {  	[timem:s3], [sflag:s2] =	dma.local @!p0 [hbm:s0], s1  }
0x67: {  	s0 =	simm.s32 @!p0 $0x1  }
0x68: {  	_ =	swait.ge @!p0 [sflag:s0], s1  }
0x69: {  	s1 =	ssub.s32 @!p0 $0x0, s1;
	[sflag:s0] =	ssyncset.done @!p0 $0x0  }
0x6a: {  	[sflag:s0] =	ssyncadd.s32 @!p0 s1  }
0x6b: {  	[bflag:$0x3] =	sbarrier.arrive $0xFFFF  }
0x6c: {  	_ =	shalt  }

</sc_bundles>
